<compile_context>
chip_gen: v7x
topology: tpu7x:2x2x1
jax: 0.10.2.dev20260603
libtpu: 0.0.44.dev20260713+nightly
codegen_flags: <defaults>
</compile_context>

<pallas_src>
import functools

import jax
import jax.numpy as jnp
from jax import lax
from jax.experimental import pallas as pl
from jax.experimental.pallas import tpu as pltpu
from jax.experimental.pallas import tpu_sc as plsc

_INFO = plsc.get_sparse_core_info()
_NC, _NS = _INFO.num_cores, _INFO.num_subcores
_NW = _NC * _NS


def _make_gather(V, D, BATCH, SEQ, chunk):
    B = BATCH * SEQ
    assert B % _NW == 0
    b_per_w = B // _NW
    assert SEQ % b_per_w == 0
    w_per_row = SEQ // b_per_w
    assert b_per_w % chunk == 0
    n_chunks = b_per_w // chunk
    nbuf = 8
    assert n_chunks % nbuf == 0
    mesh = plsc.VectorSubcoreMesh(core_axis_name="c", subcore_axis_name="s")

    @functools.partial(
        pl.kernel,
        mesh=mesh,
        out_type=jax.ShapeDtypeStruct((B, D), jnp.float32),
        scratch_types=[
            pltpu.VMEM((b_per_w,), jnp.int32),
        ] + [pltpu.VMEM((chunk, D), jnp.float32)] * nbuf + [
            pltpu.SemaphoreType.DMA,
        ] + [pltpu.SemaphoreType.DMA] * (2 * nbuf),
    )
    def gather_kernel(table_hbm, ids_hbm, out_hbm, idx_v, *rest):
        bufs = rest[:nbuf]
        isem = rest[nbuf]
        gsems = rest[nbuf + 1:2 * nbuf + 1]
        wsems = rest[2 * nbuf + 1:]
        wid = lax.axis_index("s") * _NC + lax.axis_index("c")
        base = wid * b_per_w
        row = wid // w_per_row
        col = (wid % w_per_row) * b_per_w
        idx_copy = pltpu.make_async_copy(
            ids_hbm.at[row, pl.ds(col, b_per_w)], idx_v, isem)
        idx_copy.start()

        def gather(g, b):
            pltpu.async_copy(
                table_hbm.at[idx_v.at[pl.ds(g * chunk, chunk)]], bufs[b],
                gsems[b])

        def wait_gather(g, b):
            pltpu.make_async_copy(
                table_hbm.at[idx_v.at[pl.ds(g * chunk, chunk)]], bufs[b],
                gsems[b]).wait()

        def write(g, b):
            pltpu.async_copy(
                bufs[b], out_hbm.at[pl.ds(base + g * chunk, chunk)], wsems[b])

        def wait_write(g, b):
            pltpu.make_async_copy(
                bufs[b], out_hbm.at[pl.ds(base + g * chunk, chunk)],
                wsems[b]).wait()

        idx_copy.wait()
        for b in range(nbuf):
            gather(b, b)

        def body(h, carry):
            g = h * nbuf
            for b in range(nbuf):
                wait_gather(g + b, b)
                write(g + b, b)
            for b in range(nbuf):
                wait_write(g + b, b)
                gather(g + nbuf + b, b)
            return carry

        lax.fori_loop(0, n_chunks // nbuf - 1, body, 0)
        g_last = n_chunks - nbuf
        for b in range(nbuf):
            wait_gather(g_last + b, b)
            write(g_last + b, b)
        for b in range(nbuf):
            wait_write(g_last + b, b)

    return gather_kernel


def kernel(input_ids, attention_mask, embed_table):
    del attention_mask
    V, D = embed_table.shape
    BATCH, SEQ = input_ids.shape
    out = _make_gather(V, D, BATCH, SEQ, 8)(embed_table, input_ids)
    return out.reshape(BATCH, SEQ, D)

# --- scband reference (transcript-rebuilt; emitter-appended) ---
"""Pipeline reference for scband-neuron-text-encoder-wrapper-3659312136606 (READ-ONLY COPY).

The authoritative reference and input builder live on the scoring server;
editing this copy changes nothing except your own understanding.
"""

import jax, jax.numpy as jnp
import numpy as np

VOCAB = 151936
D_MODEL = 1024
BATCH = 4
SEQ = 8192


def setup_inputs(seed: int = 0) -> dict:
    key = jax.random.key(seed)
    k_ids, k_tbl = jax.random.split(key)
    input_ids = jax.random.randint(k_ids, (BATCH, SEQ), 0, VOCAB, dtype=jnp.int32)
    attention_mask = jnp.ones((BATCH, SEQ), dtype=jnp.int32)
    # Learned embedding table (original is bf16; use f32 for CPU reference numerics).
    embed_table = jax.random.normal(k_tbl, (VOCAB, D_MODEL), dtype=jnp.float32) * 0.02
    return {"input_ids": input_ids, "attention_mask": attention_mask, "embed_table": embed_table}


def reference(input_ids, attention_mask, embed_table):
    # Core op of NeuronTextEncoderWrapper's text-only path:
    # inputs_embeds = self.embed_tokens(input_ids)
    hidden = jnp.take(embed_table, input_ids, axis=0)
    # _get_rope_index text-only branch (image_grid_thw is None):
    # position_ids = attention_mask.cumsum(-1) - 1, masked_fill(mask==0, 1), expand to 3 M-RoPE dims.
    pos = jnp.cumsum(attention_mask.astype(jnp.int32), axis=-1) - 1
    pos = jnp.where(attention_mask == 0, 1, pos)
    position_ids = jnp.broadcast_to(pos[None, :, :], (3, pos.shape[0], pos.shape[1]))
    # position_ids are integer side outputs; the differentiable forward output is the embeddings.
    del position_ids
    return hidden

if __name__ == "__main__":
    import jax
    _d = setup_inputs()
    print(jax.jit(kernel)(*tuple(_d.values())))

</pallas_src>

<mosaic_0001>
#map = affine_map<(d0, d1) -> (0, 0)>
module attributes {stable_mosaic.version = 14 : i64} {
  func.func @gather_kernel(%arg0: i32, %arg1: i32, %arg2: memref<151936x1024xf32, #tpu.memory_space<hbm>>, %arg3: memref<4x8192xi32, #tpu.memory_space<hbm>>, %arg4: memref<32768x1024xf32, #tpu.memory_space<hbm>>, %arg5: memref<1024xi32, #tpu.memory_space<vmem>>, %arg6: memref<8x1024xf32, #tpu.memory_space<vmem>>, %arg7: memref<8x1024xf32, #tpu.memory_space<vmem>>, %arg8: memref<8x1024xf32, #tpu.memory_space<vmem>>, %arg9: memref<8x1024xf32, #tpu.memory_space<vmem>>, %arg10: memref<8x1024xf32, #tpu.memory_space<vmem>>, %arg11: memref<8x1024xf32, #tpu.memory_space<vmem>>, %arg12: memref<8x1024xf32, #tpu.memory_space<vmem>>, %arg13: memref<8x1024xf32, #tpu.memory_space<vmem>>, %arg14: memref<!tpu.dma_semaphore, #tpu.memory_space<semaphore_mem>>, %arg15: memref<!tpu.dma_semaphore, #tpu.memory_space<semaphore_mem>>, %arg16: memref<!tpu.dma_semaphore, #tpu.memory_space<semaphore_mem>>, %arg17: memref<!tpu.dma_semaphore, #tpu.memory_space<semaphore_mem>>, %arg18: memref<!tpu.dma_semaphore, #tpu.memory_space<semaphore_mem>>, %arg19: memref<!tpu.dma_semaphore, #tpu.memory_space<semaphore_mem>>, %arg20: memref<!tpu.dma_semaphore, #tpu.memory_space<semaphore_mem>>, %arg21: memref<!tpu.dma_semaphore, #tpu.memory_space<semaphore_mem>>, %arg22: memref<!tpu.dma_semaphore, #tpu.memory_space<semaphore_mem>>, %arg23: memref<!tpu.dma_semaphore, #tpu.memory_space<semaphore_mem>>, %arg24: memref<!tpu.dma_semaphore, #tpu.memory_space<semaphore_mem>>, %arg25: memref<!tpu.dma_semaphore, #tpu.memory_space<semaphore_mem>>, %arg26: memref<!tpu.dma_semaphore, #tpu.memory_space<semaphore_mem>>, %arg27: memref<!tpu.dma_semaphore, #tpu.memory_space<semaphore_mem>>, %arg28: memref<!tpu.dma_semaphore, #tpu.memory_space<semaphore_mem>>, %arg29: memref<!tpu.dma_semaphore, #tpu.memory_space<semaphore_mem>>, %arg30: memref<!tpu.dma_semaphore, #tpu.memory_space<semaphore_mem>>) attributes {dimension_semantics = [#tpu.dimension_semantics<core_parallel>, #tpu.dimension_semantics<subcore_parallel>], iteration_bounds = array<i64: 2, 16>, scalar_prefetch = 0 : i64, scratch_operands = 26 : i64, tpu.core_type = #tpu.core_type<sc_vector_subcore>, window_params = [{transform_indices = #map}, {transform_indices = #map}, {transform_indices = #map}]} {
    %mul3A = arith.constant 2 : i32
    %mul3A_0 = arith.muli %arg1, %mul3A : i32
    %add3A = arith.addi %mul3A_0, %arg0 : i32
    %mul3A_1 = arith.constant 1024 : i32
    %mul3A_2 = arith.muli %add3A, %mul3A_1 : i32
    %jit3A = arith.constant 8 : i32
    %div3A = arith.divsi %add3A, %jit3A : i32
    %sign3A = arith.constant 0 : i32
    %sign3A_3 = arith.cmpi sgt, %add3A, %sign3A : i32
    %sign3A_4 = arith.extui %sign3A_3 : i1 to i32
    %sign3A_5 = arith.constant 0 : i32
    %sign3A_6 = arith.cmpi slt, %add3A, %sign3A_5 : i32
    %sign3A_7 = arith.extui %sign3A_6 : i1 to i32
    %sign3A_8 = arith.subi %sign3A_4, %sign3A_7 : i32
    %sign3A_9 = arith.constant 0 : i32
    %sign3A_10 = arith.cmpi sgt, %jit3A, %sign3A_9 : i32
    %sign3A_11 = arith.extui %sign3A_10 : i1 to i32
    %sign3A_12 = arith.constant 0 : i32
    %sign3A_13 = arith.cmpi slt, %jit3A, %sign3A_12 : i32
    %sign3A_14 = arith.extui %sign3A_13 : i1 to i32
    %sign3A_15 = arith.subi %sign3A_11, %sign3A_14 : i32
    %ne3A = arith.cmpi ne, %sign3A_8, %sign3A_15 : i32
    %rem3A = arith.remsi %add3A, %jit3A : i32
    %ne3A_16 = arith.constant 0 : i32
    %ne3A_17 = arith.cmpi ne, %rem3A, %ne3A_16 : i32
    %and3A = arith.andi %ne3A, %ne3A_17 : i1
    %sub3A = arith.constant 1 : i32
    %sub3A_18 = arith.subi %div3A, %sub3A : i32
    %select_n3A = arith.select %and3A, %sub3A_18, %div3A : i32
    %jit3A_19 = arith.constant 8 : i32
    %eq3A = arith.constant 0 : i32
    %eq3A_20 = arith.cmpi eq, %jit3A_19, %eq3A : i32
    %jit3A_21 = arith.constant 1 : i32
    %select_n3A_22 = arith.select %eq3A_20, %jit3A_21, %jit3A_19 : i32
    %rem3A_23 = arith.remsi %add3A, %select_n3A_22 : i32
    %ne3A_24 = arith.constant 0 : i32
    %ne3A_25 = arith.cmpi ne, %rem3A_23, %ne3A_24 : i32
    %lt3A = arith.constant 0 : i32
    %lt3A_26 = arith.cmpi slt, %rem3A_23, %lt3A : i32
    %lt3A_27 = arith.constant 0 : i32
    %lt3A_28 = arith.cmpi slt, %select_n3A_22, %lt3A_27 : i32
    %ne3A_29 = arith.xori %lt3A_26, %lt3A_28 : i1
    %and3A_30 = arith.andi %ne3A_29, %ne3A_25 : i1
    %add3A_31 = arith.addi %rem3A_23, %select_n3A_22 : i32
    %select_n3A_32 = arith.select %and3A_30, %add3A_31, %rem3A_23 : i32
    %mul3A_33 = arith.constant 1024 : i32
    %mul3A_34 = arith.muli %select_n3A_32, %mul3A_33 : i32
    %dma_start3A = tpu.memref_slice %arg3[%select_n3A, %mul3A_34] : memref<4x8192xi32, #tpu.memory_space<hbm>> -> memref<1x1024xi32, #tpu.memory_space<hbm>>
    %dma_start3A_35 = tpu.memref_squeeze %dma_start3A : memref<1x1024xi32, #tpu.memory_space<hbm>> -> memref<1024xi32, #tpu.memory_space<hbm>>
    %dma_start3A_36 = tpu.memref_slice %arg3[%select_n3A, %mul3A_34] : memref<4x8192xi32, #tpu.memory_space<hbm>> -> memref<1x1024xi32, #tpu.memory_space<hbm>>
    %dma_start3A_37 = tpu.memref_squeeze %dma_start3A_36 : memref<1x1024xi32, #tpu.memory_space<hbm>> -> memref<1024xi32, #tpu.memory_space<hbm>>
    tpu.enqueue_dma source(%dma_start3A_37 : memref<1024xi32, #tpu.memory_space<hbm>>) target(%arg5 : memref<1024xi32, #tpu.memory_space<vmem>>) target_semaphore(%arg14 : memref<!tpu.dma_semaphore, #tpu.memory_space<semaphore_mem>>)
    %dma_wait3A = tpu.memref_slice %arg3[%select_n3A, %mul3A_34] : memref<4x8192xi32, #tpu.memory_space<hbm>> -> memref<1x1024xi32, #tpu.memory_space<hbm>>
    %dma_wait3A_38 = tpu.memref_squeeze %dma_wait3A : memref<1x1024xi32, #tpu.memory_space<hbm>> -> memref<1024xi32, #tpu.memory_space<hbm>>
    %dma_wait3A_39 = tpu.memref_slice %arg3[%select_n3A, %mul3A_34] : memref<4x8192xi32, #tpu.memory_space<hbm>> -> memref<1x1024xi32, #tpu.memory_space<hbm>>
    %dma_wait3A_40 = tpu.memref_squeeze %dma_wait3A_39 : memref<1x1024xi32, #tpu.memory_space<hbm>> -> memref<1024xi32, #tpu.memory_space<hbm>>
    tpu.wait_dma2 semaphore(%arg14 : memref<!tpu.dma_semaphore, #tpu.memory_space<semaphore_mem>>) src(%dma_wait3A_40 : memref<1024xi32, #tpu.memory_space<hbm>>) dst(%arg5 : memref<1024xi32, #tpu.memory_space<vmem>>)
    %dma_start3A_41 = arith.constant 0 : i32
    %dma_start3A_42 = tpu.memref_slice %arg5[%dma_start3A_41] : memref<1024xi32, #tpu.memory_space<vmem>> -> memref<8xi32, #tpu.memory_space<vmem>>
    %dma_start3A_43 = arith.constant 0 : i32
    %dma_start3A_44 = arith.constant 0 : i32
    %dma_start3A_45 = tpu.memref_slice %arg2[%dma_start3A_43, %dma_start3A_44] : memref<151936x1024xf32, #tpu.memory_space<hbm>> -> memref<151936x1024xf32, #tpu.memory_space<hbm>>
    tpu.enqueue_indirect_dma source(%dma_start3A_45 : memref<151936x1024xf32, #tpu.memory_space<hbm>>) target(%arg6 : memref<8x1024xf32, #tpu.memory_space<vmem>>) offsets(%dma_start3A_42 : memref<8xi32, #tpu.memory_space<vmem>>) semaphore(%arg15 : memref<!tpu.dma_semaphore, #tpu.memory_space<semaphore_mem>>)
    %dma_start3A_46 = arith.constant 8 : i32
    %dma_start3A_47 = tpu.memref_slice %arg5[%dma_start3A_46] : memref<1024xi32, #tpu.memory_space<vmem>> -> memref<8xi32, #tpu.memory_space<vmem>>
    %dma_start3A_48 = arith.constant 0 : i32
    %dma_start3A_49 = arith.constant 0 : i32
    %dma_start3A_50 = tpu.memref_slice %arg2[%dma_start3A_48, %dma_start3A_49] : memref<151936x1024xf32, #tpu.memory_space<hbm>> -> memref<151936x1024xf32, #tpu.memory_space<hbm>>
    tpu.enqueue_indirect_dma source(%dma_start3A_50 : memref<151936x1024xf32, #tpu.memory_space<hbm>>) target(%arg7 : memref<8x1024xf32, #tpu.memory_space<vmem>>) offsets(%dma_start3A_47 : memref<8xi32, #tpu.memory_space<vmem>>) semaphore(%arg16 : memref<!tpu.dma_semaphore, #tpu.memory_space<semaphore_mem>>)
    %dma_start3A_51 = arith.constant 16 : i32
    %dma_start3A_52 = tpu.memref_slice %arg5[%dma_start3A_51] : memref<1024xi32, #tpu.memory_space<vmem>> -> memref<8xi32, #tpu.memory_space<vmem>>
    %dma_start3A_53 = arith.constant 0 : i32
    %dma_start3A_54 = arith.constant 0 : i32
    %dma_start3A_55 = tpu.memref_slice %arg2[%dma_start3A_53, %dma_start3A_54] : memref<151936x1024xf32, #tpu.memory_space<hbm>> -> memref<151936x1024xf32, #tpu.memory_space<hbm>>
    tpu.enqueue_indirect_dma source(%dma_start3A_55 : memref<151936x1024xf32, #tpu.memory_space<hbm>>) target(%arg8 : memref<8x1024xf32, #tpu.memory_space<vmem>>) offsets(%dma_start3A_52 : memref<8xi32, #tpu.memory_space<vmem>>) semaphore(%arg17 : memref<!tpu.dma_semaphore, #tpu.memory_space<semaphore_mem>>)
    %dma_start3A_56 = arith.constant 24 : i32
    %dma_start3A_57 = tpu.memref_slice %arg5[%dma_start3A_56] : memref<1024xi32, #tpu.memory_space<vmem>> -> memref<8xi32, #tpu.memory_space<vmem>>
    %dma_start3A_58 = arith.constant 0 : i32
    %dma_start3A_59 = arith.constant 0 : i32
    %dma_start3A_60 = tpu.memref_slice %arg2[%dma_start3A_58, %dma_start3A_59] : memref<151936x1024xf32, #tpu.memory_space<hbm>> -> memref<151936x1024xf32, #tpu.memory_space<hbm>>
    tpu.enqueue_indirect_dma source(%dma_start3A_60 : memref<151936x1024xf32, #tpu.memory_space<hbm>>) target(%arg9 : memref<8x1024xf32, #tpu.memory_space<vmem>>) offsets(%dma_start3A_57 : memref<8xi32, #tpu.memory_space<vmem>>) semaphore(%arg18 : memref<!tpu.dma_semaphore, #tpu.memory_space<semaphore_mem>>)
    %dma_start3A_61 = arith.constant 32 : i32
    %dma_start3A_62 = tpu.memref_slice %arg5[%dma_start3A_61] : memref<1024xi32, #tpu.memory_space<vmem>> -> memref<8xi32, #tpu.memory_space<vmem>>
    %dma_start3A_63 = arith.constant 0 : i32
    %dma_start3A_64 = arith.constant 0 : i32
    %dma_start3A_65 = tpu.memref_slice %arg2[%dma_start3A_63, %dma_start3A_64] : memref<151936x1024xf32, #tpu.memory_space<hbm>> -> memref<151936x1024xf32, #tpu.memory_space<hbm>>
    tpu.enqueue_indirect_dma source(%dma_start3A_65 : memref<151936x1024xf32, #tpu.memory_space<hbm>>) target(%arg10 : memref<8x1024xf32, #tpu.memory_space<vmem>>) offsets(%dma_start3A_62 : memref<8xi32, #tpu.memory_space<vmem>>) semaphore(%arg19 : memref<!tpu.dma_semaphore, #tpu.memory_space<semaphore_mem>>)
    %dma_start3A_66 = arith.constant 40 : i32
    %dma_start3A_67 = tpu.memref_slice %arg5[%dma_start3A_66] : memref<1024xi32, #tpu.memory_space<vmem>> -> memref<8xi32, #tpu.memory_space<vmem>>
    %dma_start3A_68 = arith.constant 0 : i32
    %dma_start3A_69 = arith.constant 0 : i32
    %dma_start3A_70 = tpu.memref_slice %arg2[%dma_start3A_68, %dma_start3A_69] : memref<151936x1024xf32, #tpu.memory_space<hbm>> -> memref<151936x1024xf32, #tpu.memory_space<hbm>>
    tpu.enqueue_indirect_dma source(%dma_start3A_70 : memref<151936x1024xf32, #tpu.memory_space<hbm>>) target(%arg11 : memref<8x1024xf32, #tpu.memory_space<vmem>>) offsets(%dma_start3A_67 : memref<8xi32, #tpu.memory_space<vmem>>) semaphore(%arg20 : memref<!tpu.dma_semaphore, #tpu.memory_space<semaphore_mem>>)
    %dma_start3A_71 = arith.constant 48 : i32
    %dma_start3A_72 = tpu.memref_slice %arg5[%dma_start3A_71] : memref<1024xi32, #tpu.memory_space<vmem>> -> memref<8xi32, #tpu.memory_space<vmem>>
    %dma_start3A_73 = arith.constant 0 : i32
    %dma_start3A_74 = arith.constant 0 : i32
    %dma_start3A_75 = tpu.memref_slice %arg2[%dma_start3A_73, %dma_start3A_74] : memref<151936x1024xf32, #tpu.memory_space<hbm>> -> memref<151936x1024xf32, #tpu.memory_space<hbm>>
    tpu.enqueue_indirect_dma source(%dma_start3A_75 : memref<151936x1024xf32, #tpu.memory_space<hbm>>) target(%arg12 : memref<8x1024xf32, #tpu.memory_space<vmem>>) offsets(%dma_start3A_72 : memref<8xi32, #tpu.memory_space<vmem>>) semaphore(%arg21 : memref<!tpu.dma_semaphore, #tpu.memory_space<semaphore_mem>>)
    %dma_start3A_76 = arith.constant 56 : i32
    %dma_start3A_77 = tpu.memref_slice %arg5[%dma_start3A_76] : memref<1024xi32, #tpu.memory_space<vmem>> -> memref<8xi32, #tpu.memory_space<vmem>>
    %dma_start3A_78 = arith.constant 0 : i32
    %dma_start3A_79 = arith.constant 0 : i32
    %dma_start3A_80 = tpu.memref_slice %arg2[%dma_start3A_78, %dma_start3A_79] : memref<151936x1024xf32, #tpu.memory_space<hbm>> -> memref<151936x1024xf32, #tpu.memory_space<hbm>>
    tpu.enqueue_indirect_dma source(%dma_start3A_80 : memref<151936x1024xf32, #tpu.memory_space<hbm>>) target(%arg13 : memref<8x1024xf32, #tpu.memory_space<vmem>>) offsets(%dma_start3A_77 : memref<8xi32, #tpu.memory_space<vmem>>) semaphore(%arg22 : memref<!tpu.dma_semaphore, #tpu.memory_space<semaphore_mem>>)
    %scan3A = arith.constant 0 : i32
    %scan3A_81 = arith.constant 0 : i32
    %scan3A_82 = arith.constant 15 : i32
    %scan3A_83 = arith.addi %scan3A_81, %scan3A_82 : i32
    %scan3A_84 = arith.constant 1 : i32
    scf.for %scan3A_222 = %scan3A_81 to %scan3A_83 step %scan3A_84  : i32 {
      %mul3A_223 = arith.constant 8 : i32
      %mul3A_224 = arith.muli %scan3A_222, %mul3A_223 : i32
      %add3A_225 = arith.constant 0 : i32
      %add3A_226 = arith.addi %mul3A_224, %add3A_225 : i32
      %mul3A_227 = arith.constant 8 : i32
      %mul3A_228 = arith.muli %add3A_226, %mul3A_227 : i32
      %dma_wait3A_229 = tpu.memref_slice %arg5[%mul3A_228] : memref<1024xi32, #tpu.memory_space<vmem>> -> memref<8xi32, #tpu.memory_space<vmem>>
      %dma_wait3A_230 = arith.constant 0 : i32
      %dma_wait3A_231 = arith.constant 0 : i32
      %dma_wait3A_232 = tpu.memref_slice %arg2[%dma_wait3A_230, %dma_wait3A_231] : memref<151936x1024xf32, #tpu.memory_space<hbm>> -> memref<151936x1024xf32, #tpu.memory_space<hbm>>
      tpu.wait_indirect_dma semaphore(%arg15 : memref<!tpu.dma_semaphore, #tpu.memory_space<semaphore_mem>>) src(%dma_wait3A_232 : memref<151936x1024xf32, #tpu.memory_space<hbm>>) dst(%arg6 : memref<8x1024xf32, #tpu.memory_space<vmem>>)
      %add3A_233 = arith.constant 0 : i32
      %add3A_234 = arith.addi %mul3A_224, %add3A_233 : i32
      %mul3A_235 = arith.constant 8 : i32
      %mul3A_236 = arith.muli %add3A_234, %mul3A_235 : i32
      %add3A_237 = arith.addi %mul3A_2, %mul3A_236 : i32
      %dma_start3A_238 = arith.constant 0 : i32
      %dma_start3A_239 = tpu.memref_slice %arg4[%add3A_237, %dma_start3A_238] : memref<32768x1024xf32, #tpu.memory_space<hbm>> -> memref<8x1024xf32, #tpu.memory_space<hbm>>
      %dma_start3A_240 = arith.constant 0 : i32
      %dma_start3A_241 = tpu.memref_slice %arg4[%add3A_237, %dma_start3A_240] : memref<32768x1024xf32, #tpu.memory_space<hbm>> -> memref<8x1024xf32, #tpu.memory_space<hbm>>
      tpu.enqueue_dma source(%arg6 : memref<8x1024xf32, #tpu.memory_space<vmem>>) target(%dma_start3A_241 : memref<8x1024xf32, #tpu.memory_space<hbm>>) target_semaphore(%arg23 : memref<!tpu.dma_semaphore, #tpu.memory_space<semaphore_mem>>)
      %add3A_242 = arith.constant 1 : i32
      %add3A_243 = arith.addi %mul3A_224, %add3A_242 : i32
      %mul3A_244 = arith.constant 8 : i32
      %mul3A_245 = arith.muli %add3A_243, %mul3A_244 : i32
      %dma_wait3A_246 = tpu.memref_slice %arg5[%mul3A_245] : memref<1024xi32, #tpu.memory_space<vmem>> -> memref<8xi32, #tpu.memory_space<vmem>>
      %dma_wait3A_247 = arith.constant 0 : i32
      %dma_wait3A_248 = arith.constant 0 : i32
      %dma_wait3A_249 = tpu.memref_slice %arg2[%dma_wait3A_247, %dma_wait3A_248] : memref<151936x1024xf32, #tpu.memory_space<hbm>> -> memref<151936x1024xf32, #tpu.memory_space<hbm>>
      tpu.wait_indirect_dma semaphore(%arg16 : memref<!tpu.dma_semaphore, #tpu.memory_space<semaphore_mem>>) src(%dma_wait3A_249 : memref<151936x1024xf32, #tpu.memory_space<hbm>>) dst(%arg7 : memref<8x1024xf32, #tpu.memory_space<vmem>>)
      %add3A_250 = arith.constant 1 : i32
      %add3A_251 = arith.addi %mul3A_224, %add3A_250 : i32
      %mul3A_252 = arith.constant 8 : i32
      %mul3A_253 = arith.muli %add3A_251, %mul3A_252 : i32
      %add3A_254 = arith.addi %mul3A_2, %mul3A_253 : i32
      %dma_start3A_255 = arith.constant 0 : i32
      %dma_start3A_256 = tpu.memref_slice %arg4[%add3A_254, %dma_start3A_255] : memref<32768x1024xf32, #tpu.memory_space<hbm>> -> memref<8x1024xf32, #tpu.memory_space<hbm>>
      %dma_start3A_257 = arith.constant 0 : i32
      %dma_start3A_258 = tpu.memref_slice %arg4[%add3A_254, %dma_start3A_257] : memref<32768x1024xf32, #tpu.memory_space<hbm>> -> memref<8x1024xf32, #tpu.memory_space<hbm>>
      tpu.enqueue_dma source(%arg7 : memref<8x1024xf32, #tpu.memory_space<vmem>>) target(%dma_start3A_258 : memref<8x1024xf32, #tpu.memory_space<hbm>>) target_semaphore(%arg24 : memref<!tpu.dma_semaphore, #tpu.memory_space<semaphore_mem>>)
      %add3A_259 = arith.constant 2 : i32
      %add3A_260 = arith.addi %mul3A_224, %add3A_259 : i32
      %mul3A_261 = arith.constant 8 : i32
      %mul3A_262 = arith.muli %add3A_260, %mul3A_261 : i32
      %dma_wait3A_263 = tpu.memref_slice %arg5[%mul3A_262] : memref<1024xi32, #tpu.memory_space<vmem>> -> memref<8xi32, #tpu.memory_space<vmem>>
      %dma_wait3A_264 = arith.constant 0 : i32
      %dma_wait3A_265 = arith.constant 0 : i32
      %dma_wait3A_266 = tpu.memref_slice %arg2[%dma_wait3A_264, %dma_wait3A_265] : memref<151936x1024xf32, #tpu.memory_space<hbm>> -> memref<151936x1024xf32, #tpu.memory_space<hbm>>
      tpu.wait_indirect_dma semaphore(%arg17 : memref<!tpu.dma_semaphore, #tpu.memory_space<semaphore_mem>>) src(%dma_wait3A_266 : memref<151936x1024xf32, #tpu.memory_space<hbm>>) dst(%arg8 : memref<8x1024xf32, #tpu.memory_space<vmem>>)
      %add3A_267 = arith.constant 2 : i32
      %add3A_268 = arith.addi %mul3A_224, %add3A_267 : i32
      %mul3A_269 = arith.constant 8 : i32
      %mul3A_270 = arith.muli %add3A_268, %mul3A_269 : i32
      %add3A_271 = arith.addi %mul3A_2, %mul3A_270 : i32
      %dma_start3A_272 = arith.constant 0 : i32
      %dma_start3A_273 = tpu.memref_slice %arg4[%add3A_271, %dma_start3A_272] : memref<32768x1024xf32, #tpu.memory_space<hbm>> -> memref<8x1024xf32, #tpu.memory_space<hbm>>
      %dma_start3A_274 = arith.constant 0 : i32
      %dma_start3A_275 = tpu.memref_slice %arg4[%add3A_271, %dma_start3A_274] : memref<32768x1024xf32, #tpu.memory_space<hbm>> -> memref<8x1024xf32, #tpu.memory_space<hbm>>
      tpu.enqueue_dma source(%arg8 : memref<8x1024xf32, #tpu.memory_space<vmem>>) target(%dma_start3A_275 : memref<8x1024xf32, #tpu.memory_space<hbm>>) target_semaphore(%arg25 : memref<!tpu.dma_semaphore, #tpu.memory_space<semaphore_mem>>)
      %add3A_276 = arith.constant 3 : i32
      %add3A_277 = arith.addi %mul3A_224, %add3A_276 : i32
      %mul3A_278 = arith.constant 8 : i32
      %mul3A_279 = arith.muli %add3A_277, %mul3A_278 : i32
      %dma_wait3A_280 = tpu.memref_slice %arg5[%mul3A_279] : memref<1024xi32, #tpu.memory_space<vmem>> -> memref<8xi32, #tpu.memory_space<vmem>>
      %dma_wait3A_281 = arith.constant 0 : i32
      %dma_wait3A_282 = arith.constant 0 : i32
      %dma_wait3A_283 = tpu.memref_slice %arg2[%dma_wait3A_281, %dma_wait3A_282] : memref<151936x1024xf32, #tpu.memory_space<hbm>> -> memref<151936x1024xf32, #tpu.memory_space<hbm>>
      tpu.wait_indirect_dma semaphore(%arg18 : memref<!tpu.dma_semaphore, #tpu.memory_space<semaphore_mem>>) src(%dma_wait3A_283 : memref<151936x1024xf32, #tpu.memory_space<hbm>>) dst(%arg9 : memref<8x1024xf32, #tpu.memory_space<vmem>>)
      %add3A_284 = arith.constant 3 : i32
      %add3A_285 = arith.addi %mul3A_224, %add3A_284 : i32
      %mul3A_286 = arith.constant 8 : i32
      %mul3A_287 = arith.muli %add3A_285, %mul3A_286 : i32
      %add3A_288 = arith.addi %mul3A_2, %mul3A_287 : i32
      %dma_start3A_289 = arith.constant 0 : i32
      %dma_start3A_290 = tpu.memref_slice %arg4[%add3A_288, %dma_start3A_289] : memref<32768x1024xf32, #tpu.memory_space<hbm>> -> memref<8x1024xf32, #tpu.memory_space<hbm>>
      %dma_start3A_291 = arith.constant 0 : i32
      %dma_start3A_292 = tpu.memref_slice %arg4[%add3A_288, %dma_start3A_291] : memref<32768x1024xf32, #tpu.memory_space<hbm>> -> memref<8x1024xf32, #tpu.memory_space<hbm>>
      tpu.enqueue_dma source(%arg9 : memref<8x1024xf32, #tpu.memory_space<vmem>>) target(%dma_start3A_292 : memref<8x1024xf32, #tpu.memory_space<hbm>>) target_semaphore(%arg26 : memref<!tpu.dma_semaphore, #tpu.memory_space<semaphore_mem>>)
      %add3A_293 = arith.constant 4 : i32
      %add3A_294 = arith.addi %mul3A_224, %add3A_293 : i32
      %mul3A_295 = arith.constant 8 : i32
      %mul3A_296 = arith.muli %add3A_294, %mul3A_295 : i32
      %dma_wait3A_297 = tpu.memref_slice %arg5[%mul3A_296] : memref<1024xi32, #tpu.memory_space<vmem>> -> memref<8xi32, #tpu.memory_space<vmem>>
      %dma_wait3A_298 = arith.constant 0 : i32
      %dma_wait3A_299 = arith.constant 0 : i32
      %dma_wait3A_300 = tpu.memref_slice %arg2[%dma_wait3A_298, %dma_wait3A_299] : memref<151936x1024xf32, #tpu.memory_space<hbm>> -> memref<151936x1024xf32, #tpu.memory_space<hbm>>
      tpu.wait_indirect_dma semaphore(%arg19 : memref<!tpu.dma_semaphore, #tpu.memory_space<semaphore_mem>>) src(%dma_wait3A_300 : memref<151936x1024xf32, #tpu.memory_space<hbm>>) dst(%arg10 : memref<8x1024xf32, #tpu.memory_space<vmem>>)
      %add3A_301 = arith.constant 4 : i32
      %add3A_302 = arith.addi %mul3A_224, %add3A_301 : i32
      %mul3A_303 = arith.constant 8 : i32
      %mul3A_304 = arith.muli %add3A_302, %mul3A_303 : i32
      %add3A_305 = arith.addi %mul3A_2, %mul3A_304 : i32
      %dma_start3A_306 = arith.constant 0 : i32
      %dma_start3A_307 = tpu.memref_slice %arg4[%add3A_305, %dma_start3A_306] : memref<32768x1024xf32, #tpu.memory_space<hbm>> -> memref<8x1024xf32, #tpu.memory_space<hbm>>
      %dma_start3A_308 = arith.constant 0 : i32
      %dma_start3A_309 = tpu.memref_slice %arg4[%add3A_305, %dma_start3A_308] : memref<32768x1024xf32, #tpu.memory_space<hbm>> -> memref<8x1024xf32, #tpu.memory_space<hbm>>
      tpu.enqueue_dma source(%arg10 : memref<8x1024xf32, #tpu.memory_space<vmem>>) target(%dma_start3A_309 : memref<8x1024xf32, #tpu.memory_space<hbm>>) target_semaphore(%arg27 : memref<!tpu.dma_semaphore, #tpu.memory_space<semaphore_mem>>)
      %add3A_310 = arith.constant 5 : i32
      %add3A_311 = arith.addi %mul3A_224, %add3A_310 : i32
      %mul3A_312 = arith.constant 8 : i32
      %mul3A_313 = arith.muli %add3A_311, %mul3A_312 : i32
      %dma_wait3A_314 = tpu.memref_slice %arg5[%mul3A_313] : memref<1024xi32, #tpu.memory_space<vmem>> -> memref<8xi32, #tpu.memory_space<vmem>>
      %dma_wait3A_315 = arith.constant 0 : i32
      %dma_wait3A_316 = arith.constant 0 : i32
      %dma_wait3A_317 = tpu.memref_slice %arg2[%dma_wait3A_315, %dma_wait3A_316] : memref<151936x1024xf32, #tpu.memory_space<hbm>> -> memref<151936x1024xf32, #tpu.memory_space<hbm>>
      tpu.wait_indirect_dma semaphore(%arg20 : memref<!tpu.dma_semaphore, #tpu.memory_space<semaphore_mem>>) src(%dma_wait3A_317 : memref<151936x1024xf32, #tpu.memory_space<hbm>>) dst(%arg11 : memref<8x1024xf32, #tpu.memory_space<vmem>>)
      %add3A_318 = arith.constant 5 : i32
      %add3A_319 = arith.addi %mul3A_224, %add3A_318 : i32
      %mul3A_320 = arith.constant 8 : i32
      %mul3A_321 = arith.muli %add3A_319, %mul3A_320 : i32
      %add3A_322 = arith.addi %mul3A_2, %mul3A_321 : i32
      %dma_start3A_323 = arith.constant 0 : i32
      %dma_start3A_324 = tpu.memref_slice %arg4[%add3A_322, %dma_start3A_323] : memref<32768x1024xf32, #tpu.memory_space<hbm>> -> memref<8x1024xf32, #tpu.memory_space<hbm>>
      %dma_start3A_325 = arith.constant 0 : i32
      %dma_start3A_326 = tpu.memref_slice %arg4[%add3A_322, %dma_start3A_325] : memref<32768x1024xf32, #tpu.memory_space<hbm>> -> memref<8x1024xf32, #tpu.memory_space<hbm>>
      tpu.enqueue_dma source(%arg11 : memref<8x1024xf32, #tpu.memory_space<vmem>>) target(%dma_start3A_326 : memref<8x1024xf32, #tpu.memory_space<hbm>>) target_semaphore(%arg28 : memref<!tpu.dma_semaphore, #tpu.memory_space<semaphore_mem>>)
      %add3A_327 = arith.constant 6 : i32
      %add3A_328 = arith.addi %mul3A_224, %add3A_327 : i32
      %mul3A_329 = arith.constant 8 : i32
      %mul3A_330 = arith.muli %add3A_328, %mul3A_329 : i32
      %dma_wait3A_331 = tpu.memref_slice %arg5[%mul3A_330] : memref<1024xi32, #tpu.memory_space<vmem>> -> memref<8xi32, #tpu.memory_space<vmem>>
      %dma_wait3A_332 = arith.constant 0 : i32
      %dma_wait3A_333 = arith.constant 0 : i32
      %dma_wait3A_334 = tpu.memref_slice %arg2[%dma_wait3A_332, %dma_wait3A_333] : memref<151936x1024xf32, #tpu.memory_space<hbm>> -> memref<151936x1024xf32, #tpu.memory_space<hbm>>
      tpu.wait_indirect_dma semaphore(%arg21 : memref<!tpu.dma_semaphore, #tpu.memory_space<semaphore_mem>>) src(%dma_wait3A_334 : memref<151936x1024xf32, #tpu.memory_space<hbm>>) dst(%arg12 : memref<8x1024xf32, #tpu.memory_space<vmem>>)
      %add3A_335 = arith.constant 6 : i32
      %add3A_336 = arith.addi %mul3A_224, %add3A_335 : i32
      %mul3A_337 = arith.constant 8 : i32
      %mul3A_338 = arith.muli %add3A_336, %mul3A_337 : i32
      %add3A_339 = arith.addi %mul3A_2, %mul3A_338 : i32
      %dma_start3A_340 = arith.constant 0 : i32
      %dma_start3A_341 = tpu.memref_slice %arg4[%add3A_339, %dma_start3A_340] : memref<32768x1024xf32, #tpu.memory_space<hbm>> -> memref<8x1024xf32, #tpu.memory_space<hbm>>
      %dma_start3A_342 = arith.constant 0 : i32
      %dma_start3A_343 = tpu.memref_slice %arg4[%add3A_339, %dma_start3A_342] : memref<32768x1024xf32, #tpu.memory_space<hbm>> -> memref<8x1024xf32, #tpu.memory_space<hbm>>
      tpu.enqueue_dma source(%arg12 : memref<8x1024xf32, #tpu.memory_space<vmem>>) target(%dma_start3A_343 : memref<8x1024xf32, #tpu.memory_space<hbm>>) target_semaphore(%arg29 : memref<!tpu.dma_semaphore, #tpu.memory_space<semaphore_mem>>)
      %add3A_344 = arith.constant 7 : i32
      %add3A_345 = arith.addi %mul3A_224, %add3A_344 : i32
      %mul3A_346 = arith.constant 8 : i32
      %mul3A_347 = arith.muli %add3A_345, %mul3A_346 : i32
      %dma_wait3A_348 = tpu.memref_slice %arg5[%mul3A_347] : memref<1024xi32, #tpu.memory_space<vmem>> -> memref<8xi32, #tpu.memory_space<vmem>>
      %dma_wait3A_349 = arith.constant 0 : i32
      %dma_wait3A_350 = arith.constant 0 : i32
      %dma_wait3A_351 = tpu.memref_slice %arg2[%dma_wait3A_349, %dma_wait3A_350] : memref<151936x1024xf32, #tpu.memory_space<hbm>> -> memref<151936x1024xf32, #tpu.memory_space<hbm>>
      tpu.wait_indirect_dma semaphore(%arg22 : memref<!tpu.dma_semaphore, #tpu.memory_space<semaphore_mem>>) src(%dma_wait3A_351 : memref<151936x1024xf32, #tpu.memory_space<hbm>>) dst(%arg13 : memref<8x1024xf32, #tpu.memory_space<vmem>>)
      %add3A_352 = arith.constant 7 : i32
      %add3A_353 = arith.addi %mul3A_224, %add3A_352 : i32
      %mul3A_354 = arith.constant 8 : i32
      %mul3A_355 = arith.muli %add3A_353, %mul3A_354 : i32
      %add3A_356 = arith.addi %mul3A_2, %mul3A_355 : i32
      %dma_start3A_357 = arith.constant 0 : i32
      %dma_start3A_358 = tpu.memref_slice %arg4[%add3A_356, %dma_start3A_357] : memref<32768x1024xf32, #tpu.memory_space<hbm>> -> memref<8x1024xf32, #tpu.memory_space<hbm>>
      %dma_start3A_359 = arith.constant 0 : i32
      %dma_start3A_360 = tpu.memref_slice %arg4[%add3A_356, %dma_start3A_359] : memref<32768x1024xf32, #tpu.memory_space<hbm>> -> memref<8x1024xf32, #tpu.memory_space<hbm>>
      tpu.enqueue_dma source(%arg13 : memref<8x1024xf32, #tpu.memory_space<vmem>>) target(%dma_start3A_360 : memref<8x1024xf32, #tpu.memory_space<hbm>>) target_semaphore(%arg30 : memref<!tpu.dma_semaphore, #tpu.memory_space<semaphore_mem>>)
      %add3A_361 = arith.constant 0 : i32
      %add3A_362 = arith.addi %mul3A_224, %add3A_361 : i32
      %mul3A_363 = arith.constant 8 : i32
      %mul3A_364 = arith.muli %add3A_362, %mul3A_363 : i32
      %add3A_365 = arith.addi %mul3A_2, %mul3A_364 : i32
      %dma_wait3A_366 = arith.constant 0 : i32
      %dma_wait3A_367 = tpu.memref_slice %arg4[%add3A_365, %dma_wait3A_366] : memref<32768x1024xf32, #tpu.memory_space<hbm>> -> memref<8x1024xf32, #tpu.memory_space<hbm>>
      %dma_wait3A_368 = arith.constant 0 : i32
      %dma_wait3A_369 = tpu.memref_slice %arg4[%add3A_365, %dma_wait3A_368] : memref<32768x1024xf32, #tpu.memory_space<hbm>> -> memref<8x1024xf32, #tpu.memory_space<hbm>>
      tpu.wait_dma2 semaphore(%arg23 : memref<!tpu.dma_semaphore, #tpu.memory_space<semaphore_mem>>) src(%arg6 : memref<8x1024xf32, #tpu.memory_space<vmem>>) dst(%dma_wait3A_369 : memref<8x1024xf32, #tpu.memory_space<hbm>>)
      %add3A_370 = arith.constant 8 : i32
      %add3A_371 = arith.addi %mul3A_224, %add3A_370 : i32
      %add3A_372 = arith.constant 0 : i32
      %add3A_373 = arith.addi %add3A_371, %add3A_372 : i32
      %mul3A_374 = arith.constant 8 : i32
      %mul3A_375 = arith.muli %add3A_373, %mul3A_374 : i32
      %dma_start3A_376 = tpu.memref_slice %arg5[%mul3A_375] : memref<1024xi32, #tpu.memory_space<vmem>> -> memref<8xi32, #tpu.memory_space<vmem>>
      %dma_start3A_377 = arith.constant 0 : i32
      %dma_start3A_378 = arith.constant 0 : i32
      %dma_start3A_379 = tpu.memref_slice %arg2[%dma_start3A_377, %dma_start3A_378] : memref<151936x1024xf32, #tpu.memory_space<hbm>> -> memref<151936x1024xf32, #tpu.memory_space<hbm>>
      tpu.enqueue_indirect_dma source(%dma_start3A_379 : memref<151936x1024xf32, #tpu.memory_space<hbm>>) target(%arg6 : memref<8x1024xf32, #tpu.memory_space<vmem>>) offsets(%dma_start3A_376 : memref<8xi32, #tpu.memory_space<vmem>>) semaphore(%arg15 : memref<!tpu.dma_semaphore, #tpu.memory_space<semaphore_mem>>)
      %add3A_380 = arith.constant 1 : i32
      %add3A_381 = arith.addi %mul3A_224, %add3A_380 : i32
      %mul3A_382 = arith.constant 8 : i32
      %mul3A_383 = arith.muli %add3A_381, %mul3A_382 : i32
      %add3A_384 = arith.addi %mul3A_2, %mul3A_383 : i32
      %dma_wait3A_385 = arith.constant 0 : i32
      %dma_wait3A_386 = tpu.memref_slice %arg4[%add3A_384, %dma_wait3A_385] : memref<32768x1024xf32, #tpu.memory_space<hbm>> -> memref<8x1024xf32, #tpu.memory_space<hbm>>
      %dma_wait3A_387 = arith.constant 0 : i32
      %dma_wait3A_388 = tpu.memref_slice %arg4[%add3A_384, %dma_wait3A_387] : memref<32768x1024xf32, #tpu.memory_space<hbm>> -> memref<8x1024xf32, #tpu.memory_space<hbm>>
      tpu.wait_dma2 semaphore(%arg24 : memref<!tpu.dma_semaphore, #tpu.memory_space<semaphore_mem>>) src(%arg7 : memref<8x1024xf32, #tpu.memory_space<vmem>>) dst(%dma_wait3A_388 : memref<8x1024xf32, #tpu.memory_space<hbm>>)
      %add3A_389 = arith.constant 8 : i32
      %add3A_390 = arith.addi %mul3A_224, %add3A_389 : i32
      %add3A_391 = arith.constant 1 : i32
      %add3A_392 = arith.addi %add3A_390, %add3A_391 : i32
      %mul3A_393 = arith.constant 8 : i32
      %mul3A_394 = arith.muli %add3A_392, %mul3A_393 : i32
      %dma_start3A_395 = tpu.memref_slice %arg5[%mul3A_394] : memref<1024xi32, #tpu.memory_space<vmem>> -> memref<8xi32, #tpu.memory_space<vmem>>
      %dma_start3A_396 = arith.constant 0 : i32
      %dma_start3A_397 = arith.constant 0 : i32
      %dma_start3A_398 = tpu.memref_slice %arg2[%dma_start3A_396, %dma_start3A_397] : memref<151936x1024xf32, #tpu.memory_space<hbm>> -> memref<151936x1024xf32, #tpu.memory_space<hbm>>
      tpu.enqueue_indirect_dma source(%dma_start3A_398 : memref<151936x1024xf32, #tpu.memory_space<hbm>>) target(%arg7 : memref<8x1024xf32, #tpu.memory_space<vmem>>) offsets(%dma_start3A_395 : memref<8xi32, #tpu.memory_space<vmem>>) semaphore(%arg16 : memref<!tpu.dma_semaphore, #tpu.memory_space<semaphore_mem>>)
      %add3A_399 = arith.constant 2 : i32
      %add3A_400 = arith.addi %mul3A_224, %add3A_399 : i32
      %mul3A_401 = arith.constant 8 : i32
      %mul3A_402 = arith.muli %add3A_400, %mul3A_401 : i32
      %add3A_403 = arith.addi %mul3A_2, %mul3A_402 : i32
      %dma_wait3A_404 = arith.constant 0 : i32
      %dma_wait3A_405 = tpu.memref_slice %arg4[%add3A_403, %dma_wait3A_404] : memref<32768x1024xf32, #tpu.memory_space<hbm>> -> memref<8x1024xf32, #tpu.memory_space<hbm>>
      %dma_wait3A_406 = arith.constant 0 : i32
      %dma_wait3A_407 = tpu.memref_slice %arg4[%add3A_403, %dma_wait3A_406] : memref<32768x1024xf32, #tpu.memory_space<hbm>> -> memref<8x1024xf32, #tpu.memory_space<hbm>>
      tpu.wait_dma2 semaphore(%arg25 : memref<!tpu.dma_semaphore, #tpu.memory_space<semaphore_mem>>) src(%arg8 : memref<8x1024xf32, #tpu.memory_space<vmem>>) dst(%dma_wait3A_407 : memref<8x1024xf32, #tpu.memory_space<hbm>>)
      %add3A_408 = arith.constant 8 : i32
      %add3A_409 = arith.addi %mul3A_224, %add3A_408 : i32
      %add3A_410 = arith.constant 2 : i32
      %add3A_411 = arith.addi %add3A_409, %add3A_410 : i32
      %mul3A_412 = arith.constant 8 : i32
      %mul3A_413 = arith.muli %add3A_411, %mul3A_412 : i32
      %dma_start3A_414 = tpu.memref_slice %arg5[%mul3A_413] : memref<1024xi32, #tpu.memory_space<vmem>> -> memref<8xi32, #tpu.memory_space<vmem>>
      %dma_start3A_415 = arith.constant 0 : i32
      %dma_start3A_416 = arith.constant 0 : i32
      %dma_start3A_417 = tpu.memref_slice %arg2[%dma_start3A_415, %dma_start3A_416] : memref<151936x1024xf32, #tpu.memory_space<hbm>> -> memref<151936x1024xf32, #tpu.memory_space<hbm>>
      tpu.enqueue_indirect_dma source(%dma_start3A_417 : memref<151936x1024xf32, #tpu.memory_space<hbm>>) target(%arg8 : memref<8x1024xf32, #tpu.memory_space<vmem>>) offsets(%dma_start3A_414 : memref<8xi32, #tpu.memory_space<vmem>>) semaphore(%arg17 : memref<!tpu.dma_semaphore, #tpu.memory_space<semaphore_mem>>)
      %add3A_418 = arith.constant 3 : i32
      %add3A_419 = arith.addi %mul3A_224, %add3A_418 : i32
      %mul3A_420 = arith.constant 8 : i32
      %mul3A_421 = arith.muli %add3A_419, %mul3A_420 : i32
      %add3A_422 = arith.addi %mul3A_2, %mul3A_421 : i32
      %dma_wait3A_423 = arith.constant 0 : i32
      %dma_wait3A_424 = tpu.memref_slice %arg4[%add3A_422, %dma_wait3A_423] : memref<32768x1024xf32, #tpu.memory_space<hbm>> -> memref<8x1024xf32, #tpu.memory_space<hbm>>
      %dma_wait3A_425 = arith.constant 0 : i32
      %dma_wait3A_426 = tpu.memref_slice %arg4[%add3A_422, %dma_wait3A_425] : memref<32768x1024xf32, #tpu.memory_space<hbm>> -> memref<8x1024xf32, #tpu.memory_space<hbm>>
      tpu.wait_dma2 semaphore(%arg26 : memref<!tpu.dma_semaphore, #tpu.memory_space<semaphore_mem>>) src(%arg9 : memref<8x1024xf32, #tpu.memory_space<vmem>>) dst(%dma_wait3A_426 : memref<8x1024xf32, #tpu.memory_space<hbm>>)
      %add3A_427 = arith.constant 8 : i32
      %add3A_428 = arith.addi %mul3A_224, %add3A_427 : i32
      %add3A_429 = arith.constant 3 : i32
      %add3A_430 = arith.addi %add3A_428, %add3A_429 : i32
      %mul3A_431 = arith.constant 8 : i32
      %mul3A_432 = arith.muli %add3A_430, %mul3A_431 : i32
      %dma_start3A_433 = tpu.memref_slice %arg5[%mul3A_432] : memref<1024xi32, #tpu.memory_space<vmem>> -> memref<8xi32, #tpu.memory_space<vmem>>
      %dma_start3A_434 = arith.constant 0 : i32
      %dma_start3A_435 = arith.constant 0 : i32
      %dma_start3A_436 = tpu.memref_slice %arg2[%dma_start3A_434, %dma_start3A_435] : memref<151936x1024xf32, #tpu.memory_space<hbm>> -> memref<151936x1024xf32, #tpu.memory_space<hbm>>
      tpu.enqueue_indirect_dma source(%dma_start3A_436 : memref<151936x1024xf32, #tpu.memory_space<hbm>>) target(%arg9 : memref<8x1024xf32, #tpu.memory_space<vmem>>) offsets(%dma_start3A_433 : memref<8xi32, #tpu.memory_space<vmem>>) semaphore(%arg18 : memref<!tpu.dma_semaphore, #tpu.memory_space<semaphore_mem>>)
      %add3A_437 = arith.constant 4 : i32
      %add3A_438 = arith.addi %mul3A_224, %add3A_437 : i32
      %mul3A_439 = arith.constant 8 : i32
      %mul3A_440 = arith.muli %add3A_438, %mul3A_439 : i32
      %add3A_441 = arith.addi %mul3A_2, %mul3A_440 : i32
      %dma_wait3A_442 = arith.constant 0 : i32
      %dma_wait3A_443 = tpu.memref_slice %arg4[%add3A_441, %dma_wait3A_442] : memref<32768x1024xf32, #tpu.memory_space<hbm>> -> memref<8x1024xf32, #tpu.memory_space<hbm>>
      %dma_wait3A_444 = arith.constant 0 : i32
      %dma_wait3A_445 = tpu.memref_slice %arg4[%add3A_441, %dma_wait3A_444] : memref<32768x1024xf32, #tpu.memory_space<hbm>> -> memref<8x1024xf32, #tpu.memory_space<hbm>>
      tpu.wait_dma2 semaphore(%arg27 : memref<!tpu.dma_semaphore, #tpu.memory_space<semaphore_mem>>) src(%arg10 : memref<8x1024xf32, #tpu.memory_space<vmem>>) dst(%dma_wait3A_445 : memref<8x1024xf32, #tpu.memory_space<hbm>>)
      %add3A_446 = arith.constant 8 : i32
      %add3A_447 = arith.addi %mul3A_224, %add3A_446 : i32
      %add3A_448 = arith.constant 4 : i32
      %add3A_449 = arith.addi %add3A_447, %add3A_448 : i32
      %mul3A_450 = arith.constant 8 : i32
      %mul3A_451 = arith.muli %add3A_449, %mul3A_450 : i32
      %dma_start3A_452 = tpu.memref_slice %arg5[%mul3A_451] : memref<1024xi32, #tpu.memory_space<vmem>> -> memref<8xi32, #tpu.memory_space<vmem>>
      %dma_start3A_453 = arith.constant 0 : i32
      %dma_start3A_454 = arith.constant 0 : i32
      %dma_start3A_455 = tpu.memref_slice %arg2[%dma_start3A_453, %dma_start3A_454] : memref<151936x1024xf32, #tpu.memory_space<hbm>> -> memref<151936x1024xf32, #tpu.memory_space<hbm>>
      tpu.enqueue_indirect_dma source(%dma_start3A_455 : memref<151936x1024xf32, #tpu.memory_space<hbm>>) target(%arg10 : memref<8x1024xf32, #tpu.memory_space<vmem>>) offsets(%dma_start3A_452 : memref<8xi32, #tpu.memory_space<vmem>>) semaphore(%arg19 : memref<!tpu.dma_semaphore, #tpu.memory_space<semaphore_mem>>)
      %add3A_456 = arith.constant 5 : i32
      %add3A_457 = arith.addi %mul3A_224, %add3A_456 : i32
      %mul3A_458 = arith.constant 8 : i32
      %mul3A_459 = arith.muli %add3A_457, %mul3A_458 : i32
      %add3A_460 = arith.addi %mul3A_2, %mul3A_459 : i32
      %dma_wait3A_461 = arith.constant 0 : i32
      %dma_wait3A_462 = tpu.memref_slice %arg4[%add3A_460, %dma_wait3A_461] : memref<32768x1024xf32, #tpu.memory_space<hbm>> -> memref<8x1024xf32, #tpu.memory_space<hbm>>
      %dma_wait3A_463 = arith.constant 0 : i32
      %dma_wait3A_464 = tpu.memref_slice %arg4[%add3A_460, %dma_wait3A_463] : memref<32768x1024xf32, #tpu.memory_space<hbm>> -> memref<8x1024xf32, #tpu.memory_space<hbm>>
      tpu.wait_dma2 semaphore(%arg28 : memref<!tpu.dma_semaphore, #tpu.memory_space<semaphore_mem>>) src(%arg11 : memref<8x1024xf32, #tpu.memory_space<vmem>>) dst(%dma_wait3A_464 : memref<8x1024xf32, #tpu.memory_space<hbm>>)
      %add3A_465 = arith.constant 8 : i32
      %add3A_466 = arith.addi %mul3A_224, %add3A_465 : i32
      %add3A_467 = arith.constant 5 : i32
      %add3A_468 = arith.addi %add3A_466, %add3A_467 : i32
      %mul3A_469 = arith.constant 8 : i32
      %mul3A_470 = arith.muli %add3A_468, %mul3A_469 : i32
      %dma_start3A_471 = tpu.memref_slice %arg5[%mul3A_470] : memref<1024xi32, #tpu.memory_space<vmem>> -> memref<8xi32, #tpu.memory_space<vmem>>
      %dma_start3A_472 = arith.constant 0 : i32
      %dma_start3A_473 = arith.constant 0 : i32
      %dma_start3A_474 = tpu.memref_slice %arg2[%dma_start3A_472, %dma_start3A_473] : memref<151936x1024xf32, #tpu.memory_space<hbm>> -> memref<151936x1024xf32, #tpu.memory_space<hbm>>
      tpu.enqueue_indirect_dma source(%dma_start3A_474 : memref<151936x1024xf32, #tpu.memory_space<hbm>>) target(%arg11 : memref<8x1024xf32, #tpu.memory_space<vmem>>) offsets(%dma_start3A_471 : memref<8xi32, #tpu.memory_space<vmem>>) semaphore(%arg20 : memref<!tpu.dma_semaphore, #tpu.memory_space<semaphore_mem>>)
      %add3A_475 = arith.constant 6 : i32
      %add3A_476 = arith.addi %mul3A_224, %add3A_475 : i32
      %mul3A_477 = arith.constant 8 : i32
      %mul3A_478 = arith.muli %add3A_476, %mul3A_477 : i32
      %add3A_479 = arith.addi %mul3A_2, %mul3A_478 : i32
      %dma_wait3A_480 = arith.constant 0 : i32
      %dma_wait3A_481 = tpu.memref_slice %arg4[%add3A_479, %dma_wait3A_480] : memref<32768x1024xf32, #tpu.memory_space<hbm>> -> memref<8x1024xf32, #tpu.memory_space<hbm>>
      %dma_wait3A_482 = arith.constant 0 : i32
      %dma_wait3A_483 = tpu.memref_slice %arg4[%add3A_479, %dma_wait3A_482] : memref<32768x1024xf32, #tpu.memory_space<hbm>> -> memref<8x1024xf32, #tpu.memory_space<hbm>>
      tpu.wait_dma2 semaphore(%arg29 : memref<!tpu.dma_semaphore, #tpu.memory_space<semaphore_mem>>) src(%arg12 : memref<8x1024xf32, #tpu.memory_space<vmem>>) dst(%dma_wait3A_483 : memref<8x1024xf32, #tpu.memory_space<hbm>>)
      %add3A_484 = arith.constant 8 : i32
      %add3A_485 = arith.addi %mul3A_224, %add3A_484 : i32
      %add3A_486 = arith.constant 6 : i32
      %add3A_487 = arith.addi %add3A_485, %add3A_486 : i32
      %mul3A_488 = arith.constant 8 : i32
      %mul3A_489 = arith.muli %add3A_487, %mul3A_488 : i32
      %dma_start3A_490 = tpu.memref_slice %arg5[%mul3A_489] : memref<1024xi32, #tpu.memory_space<vmem>> -> memref<8xi32, #tpu.memory_space<vmem>>
      %dma_start3A_491 = arith.constant 0 : i32
      %dma_start3A_492 = arith.constant 0 : i32
      %dma_start3A_493 = tpu.memref_slice %arg2[%dma_start3A_491, %dma_start3A_492] : memref<151936x1024xf32, #tpu.memory_space<hbm>> -> memref<151936x1024xf32, #tpu.memory_space<hbm>>
      tpu.enqueue_indirect_dma source(%dma_start3A_493 : memref<151936x1024xf32, #tpu.memory_space<hbm>>) target(%arg12 : memref<8x1024xf32, #tpu.memory_space<vmem>>) offsets(%dma_start3A_490 : memref<8xi32, #tpu.memory_space<vmem>>) semaphore(%arg21 : memref<!tpu.dma_semaphore, #tpu.memory_space<semaphore_mem>>)
      %add3A_494 = arith.constant 7 : i32
      %add3A_495 = arith.addi %mul3A_224, %add3A_494 : i32
      %mul3A_496 = arith.constant 8 : i32
      %mul3A_497 = arith.muli %add3A_495, %mul3A_496 : i32
      %add3A_498 = arith.addi %mul3A_2, %mul3A_497 : i32
      %dma_wait3A_499 = arith.constant 0 : i32
      %dma_wait3A_500 = tpu.memref_slice %arg4[%add3A_498, %dma_wait3A_499] : memref<32768x1024xf32, #tpu.memory_space<hbm>> -> memref<8x1024xf32, #tpu.memory_space<hbm>>
      %dma_wait3A_501 = arith.constant 0 : i32
      %dma_wait3A_502 = tpu.memref_slice %arg4[%add3A_498, %dma_wait3A_501] : memref<32768x1024xf32, #tpu.memory_space<hbm>> -> memref<8x1024xf32, #tpu.memory_space<hbm>>
      tpu.wait_dma2 semaphore(%arg30 : memref<!tpu.dma_semaphore, #tpu.memory_space<semaphore_mem>>) src(%arg13 : memref<8x1024xf32, #tpu.memory_space<vmem>>) dst(%dma_wait3A_502 : memref<8x1024xf32, #tpu.memory_space<hbm>>)
      %add3A_503 = arith.constant 8 : i32
      %add3A_504 = arith.addi %mul3A_224, %add3A_503 : i32
      %add3A_505 = arith.constant 7 : i32
      %add3A_506 = arith.addi %add3A_504, %add3A_505 : i32
      %mul3A_507 = arith.constant 8 : i32
      %mul3A_508 = arith.muli %add3A_506, %mul3A_507 : i32
      %dma_start3A_509 = tpu.memref_slice %arg5[%mul3A_508] : memref<1024xi32, #tpu.memory_space<vmem>> -> memref<8xi32, #tpu.memory_space<vmem>>
      %dma_start3A_510 = arith.constant 0 : i32
      %dma_start3A_511 = arith.constant 0 : i32
      %dma_start3A_512 = tpu.memref_slice %arg2[%dma_start3A_510, %dma_start3A_511] : memref<151936x1024xf32, #tpu.memory_space<hbm>> -> memref<151936x1024xf32, #tpu.memory_space<hbm>>
      tpu.enqueue_indirect_dma source(%dma_start3A_512 : memref<151936x1024xf32, #tpu.memory_space<hbm>>) target(%arg13 : memref<8x1024xf32, #tpu.memory_space<vmem>>) offsets(%dma_start3A_509 : memref<8xi32, #tpu.memory_space<vmem>>) semaphore(%arg22 : memref<!tpu.dma_semaphore, #tpu.memory_space<semaphore_mem>>)
    }
    %scan3A_85 = arith.constant 15 : i32
    %dma_wait3A_86 = arith.constant 960 : i32
    %dma_wait3A_87 = tpu.memref_slice %arg5[%dma_wait3A_86] : memref<1024xi32, #tpu.memory_space<vmem>> -> memref<8xi32, #tpu.memory_space<vmem>>
    %dma_wait3A_88 = arith.constant 0 : i32
    %dma_wait3A_89 = arith.constant 0 : i32
    %dma_wait3A_90 = tpu.memref_slice %arg2[%dma_wait3A_88, %dma_wait3A_89] : memref<151936x1024xf32, #tpu.memory_space<hbm>> -> memref<151936x1024xf32, #tpu.memory_space<hbm>>
    tpu.wait_indirect_dma semaphore(%arg15 : memref<!tpu.dma_semaphore, #tpu.memory_space<semaphore_mem>>) src(%dma_wait3A_90 : memref<151936x1024xf32, #tpu.memory_space<hbm>>) dst(%arg6 : memref<8x1024xf32, #tpu.memory_space<vmem>>)
    %add3A_91 = arith.constant 960 : i32
    %add3A_92 = arith.addi %mul3A_2, %add3A_91 : i32
    %dma_start3A_93 = arith.constant 0 : i32
    %dma_start3A_94 = tpu.memref_slice %arg4[%add3A_92, %dma_start3A_93] : memref<32768x1024xf32, #tpu.memory_space<hbm>> -> memref<8x1024xf32, #tpu.memory_space<hbm>>
    %dma_start3A_95 = arith.constant 0 : i32
    %dma_start3A_96 = tpu.memref_slice %arg4[%add3A_92, %dma_start3A_95] : memref<32768x1024xf32, #tpu.memory_space<hbm>> -> memref<8x1024xf32, #tpu.memory_space<hbm>>
    tpu.enqueue_dma source(%arg6 : memref<8x1024xf32, #tpu.memory_space<vmem>>) target(%dma_start3A_96 : memref<8x1024xf32, #tpu.memory_space<hbm>>) target_semaphore(%arg23 : memref<!tpu.dma_semaphore, #tpu.memory_space<semaphore_mem>>)
    %dma_wait3A_97 = arith.constant 968 : i32
    %dma_wait3A_98 = tpu.memref_slice %arg5[%dma_wait3A_97] : memref<1024xi32, #tpu.memory_space<vmem>> -> memref<8xi32, #tpu.memory_space<vmem>>
    %dma_wait3A_99 = arith.constant 0 : i32
    %dma_wait3A_100 = arith.constant 0 : i32
    %dma_wait3A_101 = tpu.memref_slice %arg2[%dma_wait3A_99, %dma_wait3A_100] : memref<151936x1024xf32, #tpu.memory_space<hbm>> -> memref<151936x1024xf32, #tpu.memory_space<hbm>>
    tpu.wait_indirect_dma semaphore(%arg16 : memref<!tpu.dma_semaphore, #tpu.memory_space<semaphore_mem>>) src(%dma_wait3A_101 : memref<151936x1024xf32, #tpu.memory_space<hbm>>) dst(%arg7 : memref<8x1024xf32, #tpu.memory_space<vmem>>)
    %add3A_102 = arith.constant 968 : i32
    %add3A_103 = arith.addi %mul3A_2, %add3A_102 : i32
    %dma_start3A_104 = arith.constant 0 : i32
    %dma_start3A_105 = tpu.memref_slice %arg4[%add3A_103, %dma_start3A_104] : memref<32768x1024xf32, #tpu.memory_space<hbm>> -> memref<8x1024xf32, #tpu.memory_space<hbm>>
    %dma_start3A_106 = arith.constant 0 : i32
    %dma_start3A_107 = tpu.memref_slice %arg4[%add3A_103, %dma_start3A_106] : memref<32768x1024xf32, #tpu.memory_space<hbm>> -> memref<8x1024xf32, #tpu.memory_space<hbm>>
    tpu.enqueue_dma source(%arg7 : memref<8x1024xf32, #tpu.memory_space<vmem>>) target(%dma_start3A_107 : memref<8x1024xf32, #tpu.memory_space<hbm>>) target_semaphore(%arg24 : memref<!tpu.dma_semaphore, #tpu.memory_space<semaphore_mem>>)
    %dma_wait3A_108 = arith.constant 976 : i32
    %dma_wait3A_109 = tpu.memref_slice %arg5[%dma_wait3A_108] : memref<1024xi32, #tpu.memory_space<vmem>> -> memref<8xi32, #tpu.memory_space<vmem>>
    %dma_wait3A_110 = arith.constant 0 : i32
    %dma_wait3A_111 = arith.constant 0 : i32
    %dma_wait3A_112 = tpu.memref_slice %arg2[%dma_wait3A_110, %dma_wait3A_111] : memref<151936x1024xf32, #tpu.memory_space<hbm>> -> memref<151936x1024xf32, #tpu.memory_space<hbm>>
    tpu.wait_indirect_dma semaphore(%arg17 : memref<!tpu.dma_semaphore, #tpu.memory_space<semaphore_mem>>) src(%dma_wait3A_112 : memref<151936x1024xf32, #tpu.memory_space<hbm>>) dst(%arg8 : memref<8x1024xf32, #tpu.memory_space<vmem>>)
    %add3A_113 = arith.constant 976 : i32
    %add3A_114 = arith.addi %mul3A_2, %add3A_113 : i32
    %dma_start3A_115 = arith.constant 0 : i32
    %dma_start3A_116 = tpu.memref_slice %arg4[%add3A_114, %dma_start3A_115] : memref<32768x1024xf32, #tpu.memory_space<hbm>> -> memref<8x1024xf32, #tpu.memory_space<hbm>>
    %dma_start3A_117 = arith.constant 0 : i32
    %dma_start3A_118 = tpu.memref_slice %arg4[%add3A_114, %dma_start3A_117] : memref<32768x1024xf32, #tpu.memory_space<hbm>> -> memref<8x1024xf32, #tpu.memory_space<hbm>>
    tpu.enqueue_dma source(%arg8 : memref<8x1024xf32, #tpu.memory_space<vmem>>) target(%dma_start3A_118 : memref<8x1024xf32, #tpu.memory_space<hbm>>) target_semaphore(%arg25 : memref<!tpu.dma_semaphore, #tpu.memory_space<semaphore_mem>>)
    %dma_wait3A_119 = arith.constant 984 : i32
    %dma_wait3A_120 = tpu.memref_slice %arg5[%dma_wait3A_119] : memref<1024xi32, #tpu.memory_space<vmem>> -> memref<8xi32, #tpu.memory_space<vmem>>
    %dma_wait3A_121 = arith.constant 0 : i32
    %dma_wait3A_122 = arith.constant 0 : i32
    %dma_wait3A_123 = tpu.memref_slice %arg2[%dma_wait3A_121, %dma_wait3A_122] : memref<151936x1024xf32, #tpu.memory_space<hbm>> -> memref<151936x1024xf32, #tpu.memory_space<hbm>>
    tpu.wait_indirect_dma semaphore(%arg18 : memref<!tpu.dma_semaphore, #tpu.memory_space<semaphore_mem>>) src(%dma_wait3A_123 : memref<151936x1024xf32, #tpu.memory_space<hbm>>) dst(%arg9 : memref<8x1024xf32, #tpu.memory_space<vmem>>)
    %add3A_124 = arith.constant 984 : i32
    %add3A_125 = arith.addi %mul3A_2, %add3A_124 : i32
    %dma_start3A_126 = arith.constant 0 : i32
    %dma_start3A_127 = tpu.memref_slice %arg4[%add3A_125, %dma_start3A_126] : memref<32768x1024xf32, #tpu.memory_space<hbm>> -> memref<8x1024xf32, #tpu.memory_space<hbm>>
    %dma_start3A_128 = arith.constant 0 : i32
    %dma_start3A_129 = tpu.memref_slice %arg4[%add3A_125, %dma_start3A_128] : memref<32768x1024xf32, #tpu.memory_space<hbm>> -> memref<8x1024xf32, #tpu.memory_space<hbm>>
    tpu.enqueue_dma source(%arg9 : memref<8x1024xf32, #tpu.memory_space<vmem>>) target(%dma_start3A_129 : memref<8x1024xf32, #tpu.memory_space<hbm>>) target_semaphore(%arg26 : memref<!tpu.dma_semaphore, #tpu.memory_space<semaphore_mem>>)
    %dma_wait3A_130 = arith.constant 992 : i32
    %dma_wait3A_131 = tpu.memref_slice %arg5[%dma_wait3A_130] : memref<1024xi32, #tpu.memory_space<vmem>> -> memref<8xi32, #tpu.memory_space<vmem>>
    %dma_wait3A_132 = arith.constant 0 : i32
    %dma_wait3A_133 = arith.constant 0 : i32
    %dma_wait3A_134 = tpu.memref_slice %arg2[%dma_wait3A_132, %dma_wait3A_133] : memref<151936x1024xf32, #tpu.memory_space<hbm>> -> memref<151936x1024xf32, #tpu.memory_space<hbm>>
    tpu.wait_indirect_dma semaphore(%arg19 : memref<!tpu.dma_semaphore, #tpu.memory_space<semaphore_mem>>) src(%dma_wait3A_134 : memref<151936x1024xf32, #tpu.memory_space<hbm>>) dst(%arg10 : memref<8x1024xf32, #tpu.memory_space<vmem>>)
    %add3A_135 = arith.constant 992 : i32
    %add3A_136 = arith.addi %mul3A_2, %add3A_135 : i32
    %dma_start3A_137 = arith.constant 0 : i32
    %dma_start3A_138 = tpu.memref_slice %arg4[%add3A_136, %dma_start3A_137] : memref<32768x1024xf32, #tpu.memory_space<hbm>> -> memref<8x1024xf32, #tpu.memory_space<hbm>>
    %dma_start3A_139 = arith.constant 0 : i32
    %dma_start3A_140 = tpu.memref_slice %arg4[%add3A_136, %dma_start3A_139] : memref<32768x1024xf32, #tpu.memory_space<hbm>> -> memref<8x1024xf32, #tpu.memory_space<hbm>>
    tpu.enqueue_dma source(%arg10 : memref<8x1024xf32, #tpu.memory_space<vmem>>) target(%dma_start3A_140 : memref<8x1024xf32, #tpu.memory_space<hbm>>) target_semaphore(%arg27 : memref<!tpu.dma_semaphore, #tpu.memory_space<semaphore_mem>>)
    %dma_wait3A_141 = arith.constant 1000 : i32
    %dma_wait3A_142 = tpu.memref_slice %arg5[%dma_wait3A_141] : memref<1024xi32, #tpu.memory_space<vmem>> -> memref<8xi32, #tpu.memory_space<vmem>>
    %dma_wait3A_143 = arith.constant 0 : i32
    %dma_wait3A_144 = arith.constant 0 : i32
    %dma_wait3A_145 = tpu.memref_slice %arg2[%dma_wait3A_143, %dma_wait3A_144] : memref<151936x1024xf32, #tpu.memory_space<hbm>> -> memref<151936x1024xf32, #tpu.memory_space<hbm>>
    tpu.wait_indirect_dma semaphore(%arg20 : memref<!tpu.dma_semaphore, #tpu.memory_space<semaphore_mem>>) src(%dma_wait3A_145 : memref<151936x1024xf32, #tpu.memory_space<hbm>>) dst(%arg11 : memref<8x1024xf32, #tpu.memory_space<vmem>>)
    %add3A_146 = arith.constant 1000 : i32
    %add3A_147 = arith.addi %mul3A_2, %add3A_146 : i32
    %dma_start3A_148 = arith.constant 0 : i32
    %dma_start3A_149 = tpu.memref_slice %arg4[%add3A_147, %dma_start3A_148] : memref<32768x1024xf32, #tpu.memory_space<hbm>> -> memref<8x1024xf32, #tpu.memory_space<hbm>>
    %dma_start3A_150 = arith.constant 0 : i32
    %dma_start3A_151 = tpu.memref_slice %arg4[%add3A_147, %dma_start3A_150] : memref<32768x1024xf32, #tpu.memory_space<hbm>> -> memref<8x1024xf32, #tpu.memory_space<hbm>>
    tpu.enqueue_dma source(%arg11 : memref<8x1024xf32, #tpu.memory_space<vmem>>) target(%dma_start3A_151 : memref<8x1024xf32, #tpu.memory_space<hbm>>) target_semaphore(%arg28 : memref<!tpu.dma_semaphore, #tpu.memory_space<semaphore_mem>>)
    %dma_wait3A_152 = arith.constant 1008 : i32
    %dma_wait3A_153 = tpu.memref_slice %arg5[%dma_wait3A_152] : memref<1024xi32, #tpu.memory_space<vmem>> -> memref<8xi32, #tpu.memory_space<vmem>>
    %dma_wait3A_154 = arith.constant 0 : i32
    %dma_wait3A_155 = arith.constant 0 : i32
    %dma_wait3A_156 = tpu.memref_slice %arg2[%dma_wait3A_154, %dma_wait3A_155] : memref<151936x1024xf32, #tpu.memory_space<hbm>> -> memref<151936x1024xf32, #tpu.memory_space<hbm>>
    tpu.wait_indirect_dma semaphore(%arg21 : memref<!tpu.dma_semaphore, #tpu.memory_space<semaphore_mem>>) src(%dma_wait3A_156 : memref<151936x1024xf32, #tpu.memory_space<hbm>>) dst(%arg12 : memref<8x1024xf32, #tpu.memory_space<vmem>>)
    %add3A_157 = arith.constant 1008 : i32
    %add3A_158 = arith.addi %mul3A_2, %add3A_157 : i32
    %dma_start3A_159 = arith.constant 0 : i32
    %dma_start3A_160 = tpu.memref_slice %arg4[%add3A_158, %dma_start3A_159] : memref<32768x1024xf32, #tpu.memory_space<hbm>> -> memref<8x1024xf32, #tpu.memory_space<hbm>>
    %dma_start3A_161 = arith.constant 0 : i32
    %dma_start3A_162 = tpu.memref_slice %arg4[%add3A_158, %dma_start3A_161] : memref<32768x1024xf32, #tpu.memory_space<hbm>> -> memref<8x1024xf32, #tpu.memory_space<hbm>>
    tpu.enqueue_dma source(%arg12 : memref<8x1024xf32, #tpu.memory_space<vmem>>) target(%dma_start3A_162 : memref<8x1024xf32, #tpu.memory_space<hbm>>) target_semaphore(%arg29 : memref<!tpu.dma_semaphore, #tpu.memory_space<semaphore_mem>>)
    %dma_wait3A_163 = arith.constant 1016 : i32
    %dma_wait3A_164 = tpu.memref_slice %arg5[%dma_wait3A_163] : memref<1024xi32, #tpu.memory_space<vmem>> -> memref<8xi32, #tpu.memory_space<vmem>>
    %dma_wait3A_165 = arith.constant 0 : i32
    %dma_wait3A_166 = arith.constant 0 : i32
    %dma_wait3A_167 = tpu.memref_slice %arg2[%dma_wait3A_165, %dma_wait3A_166] : memref<151936x1024xf32, #tpu.memory_space<hbm>> -> memref<151936x1024xf32, #tpu.memory_space<hbm>>
    tpu.wait_indirect_dma semaphore(%arg22 : memref<!tpu.dma_semaphore, #tpu.memory_space<semaphore_mem>>) src(%dma_wait3A_167 : memref<151936x1024xf32, #tpu.memory_space<hbm>>) dst(%arg13 : memref<8x1024xf32, #tpu.memory_space<vmem>>)
    %add3A_168 = arith.constant 1016 : i32
    %add3A_169 = arith.addi %mul3A_2, %add3A_168 : i32
    %dma_start3A_170 = arith.constant 0 : i32
    %dma_start3A_171 = tpu.memref_slice %arg4[%add3A_169, %dma_start3A_170] : memref<32768x1024xf32, #tpu.memory_space<hbm>> -> memref<8x1024xf32, #tpu.memory_space<hbm>>
    %dma_start3A_172 = arith.constant 0 : i32
    %dma_start3A_173 = tpu.memref_slice %arg4[%add3A_169, %dma_start3A_172] : memref<32768x1024xf32, #tpu.memory_space<hbm>> -> memref<8x1024xf32, #tpu.memory_space<hbm>>
    tpu.enqueue_dma source(%arg13 : memref<8x1024xf32, #tpu.memory_space<vmem>>) target(%dma_start3A_173 : memref<8x1024xf32, #tpu.memory_space<hbm>>) target_semaphore(%arg30 : memref<!tpu.dma_semaphore, #tpu.memory_space<semaphore_mem>>)
    %add3A_174 = arith.constant 960 : i32
    %add3A_175 = arith.addi %mul3A_2, %add3A_174 : i32
    %dma_wait3A_176 = arith.constant 0 : i32
    %dma_wait3A_177 = tpu.memref_slice %arg4[%add3A_175, %dma_wait3A_176] : memref<32768x1024xf32, #tpu.memory_space<hbm>> -> memref<8x1024xf32, #tpu.memory_space<hbm>>
    %dma_wait3A_178 = arith.constant 0 : i32
    %dma_wait3A_179 = tpu.memref_slice %arg4[%add3A_175, %dma_wait3A_178] : memref<32768x1024xf32, #tpu.memory_space<hbm>> -> memref<8x1024xf32, #tpu.memory_space<hbm>>
    tpu.wait_dma2 semaphore(%arg23 : memref<!tpu.dma_semaphore, #tpu.memory_space<semaphore_mem>>) src(%arg6 : memref<8x1024xf32, #tpu.memory_space<vmem>>) dst(%dma_wait3A_179 : memref<8x1024xf32, #tpu.memory_space<hbm>>)
    %add3A_180 = arith.constant 968 : i32
    %add3A_181 = arith.addi %mul3A_2, %add3A_180 : i32
    %dma_wait3A_182 = arith.constant 0 : i32
    %dma_wait3A_183 = tpu.memref_slice %arg4[%add3A_181, %dma_wait3A_182] : memref<32768x1024xf32, #tpu.memory_space<hbm>> -> memref<8x1024xf32, #tpu.memory_space<hbm>>
    %dma_wait3A_184 = arith.constant 0 : i32
    %dma_wait3A_185 = tpu.memref_slice %arg4[%add3A_181, %dma_wait3A_184] : memref<32768x1024xf32, #tpu.memory_space<hbm>> -> memref<8x1024xf32, #tpu.memory_space<hbm>>
    tpu.wait_dma2 semaphore(%arg24 : memref<!tpu.dma_semaphore, #tpu.memory_space<semaphore_mem>>) src(%arg7 : memref<8x1024xf32, #tpu.memory_space<vmem>>) dst(%dma_wait3A_185 : memref<8x1024xf32, #tpu.memory_space<hbm>>)
    %add3A_186 = arith.constant 976 : i32
    %add3A_187 = arith.addi %mul3A_2, %add3A_186 : i32
    %dma_wait3A_188 = arith.constant 0 : i32
    %dma_wait3A_189 = tpu.memref_slice %arg4[%add3A_187, %dma_wait3A_188] : memref<32768x1024xf32, #tpu.memory_space<hbm>> -> memref<8x1024xf32, #tpu.memory_space<hbm>>
    %dma_wait3A_190 = arith.constant 0 : i32
    %dma_wait3A_191 = tpu.memref_slice %arg4[%add3A_187, %dma_wait3A_190] : memref<32768x1024xf32, #tpu.memory_space<hbm>> -> memref<8x1024xf32, #tpu.memory_space<hbm>>
    tpu.wait_dma2 semaphore(%arg25 : memref<!tpu.dma_semaphore, #tpu.memory_space<semaphore_mem>>) src(%arg8 : memref<8x1024xf32, #tpu.memory_space<vmem>>) dst(%dma_wait3A_191 : memref<8x1024xf32, #tpu.memory_space<hbm>>)
    %add3A_192 = arith.constant 984 : i32
    %add3A_193 = arith.addi %mul3A_2, %add3A_192 : i32
    %dma_wait3A_194 = arith.constant 0 : i32
    %dma_wait3A_195 = tpu.memref_slice %arg4[%add3A_193, %dma_wait3A_194] : memref<32768x1024xf32, #tpu.memory_space<hbm>> -> memref<8x1024xf32, #tpu.memory_space<hbm>>
    %dma_wait3A_196 = arith.constant 0 : i32
    %dma_wait3A_197 = tpu.memref_slice %arg4[%add3A_193, %dma_wait3A_196] : memref<32768x1024xf32, #tpu.memory_space<hbm>> -> memref<8x1024xf32, #tpu.memory_space<hbm>>
    tpu.wait_dma2 semaphore(%arg26 : memref<!tpu.dma_semaphore, #tpu.memory_space<semaphore_mem>>) src(%arg9 : memref<8x1024xf32, #tpu.memory_space<vmem>>) dst(%dma_wait3A_197 : memref<8x1024xf32, #tpu.memory_space<hbm>>)
    %add3A_198 = arith.constant 992 : i32
    %add3A_199 = arith.addi %mul3A_2, %add3A_198 : i32
    %dma_wait3A_200 = arith.constant 0 : i32
    %dma_wait3A_201 = tpu.memref_slice %arg4[%add3A_199, %dma_wait3A_200] : memref<32768x1024xf32, #tpu.memory_space<hbm>> -> memref<8x1024xf32, #tpu.memory_space<hbm>>
    %dma_wait3A_202 = arith.constant 0 : i32
    %dma_wait3A_203 = tpu.memref_slice %arg4[%add3A_199, %dma_wait3A_202] : memref<32768x1024xf32, #tpu.memory_space<hbm>> -> memref<8x1024xf32, #tpu.memory_space<hbm>>
    tpu.wait_dma2 semaphore(%arg27 : memref<!tpu.dma_semaphore, #tpu.memory_space<semaphore_mem>>) src(%arg10 : memref<8x1024xf32, #tpu.memory_space<vmem>>) dst(%dma_wait3A_203 : memref<8x1024xf32, #tpu.memory_space<hbm>>)
    %add3A_204 = arith.constant 1000 : i32
    %add3A_205 = arith.addi %mul3A_2, %add3A_204 : i32
    %dma_wait3A_206 = arith.constant 0 : i32
    %dma_wait3A_207 = tpu.memref_slice %arg4[%add3A_205, %dma_wait3A_206] : memref<32768x1024xf32, #tpu.memory_space<hbm>> -> memref<8x1024xf32, #tpu.memory_space<hbm>>
    %dma_wait3A_208 = arith.constant 0 : i32
    %dma_wait3A_209 = tpu.memref_slice %arg4[%add3A_205, %dma_wait3A_208] : memref<32768x1024xf32, #tpu.memory_space<hbm>> -> memref<8x1024xf32, #tpu.memory_space<hbm>>
    tpu.wait_dma2 semaphore(%arg28 : memref<!tpu.dma_semaphore, #tpu.memory_space<semaphore_mem>>) src(%arg11 : memref<8x1024xf32, #tpu.memory_space<vmem>>) dst(%dma_wait3A_209 : memref<8x1024xf32, #tpu.memory_space<hbm>>)
    %add3A_210 = arith.constant 1008 : i32
    %add3A_211 = arith.addi %mul3A_2, %add3A_210 : i32
    %dma_wait3A_212 = arith.constant 0 : i32
    %dma_wait3A_213 = tpu.memref_slice %arg4[%add3A_211, %dma_wait3A_212] : memref<32768x1024xf32, #tpu.memory_space<hbm>> -> memref<8x1024xf32, #tpu.memory_space<hbm>>
    %dma_wait3A_214 = arith.constant 0 : i32
    %dma_wait3A_215 = tpu.memref_slice %arg4[%add3A_211, %dma_wait3A_214] : memref<32768x1024xf32, #tpu.memory_space<hbm>> -> memref<8x1024xf32, #tpu.memory_space<hbm>>
    tpu.wait_dma2 semaphore(%arg29 : memref<!tpu.dma_semaphore, #tpu.memory_space<semaphore_mem>>) src(%arg12 : memref<8x1024xf32, #tpu.memory_space<vmem>>) dst(%dma_wait3A_215 : memref<8x1024xf32, #tpu.memory_space<hbm>>)
    %add3A_216 = arith.constant 1016 : i32
    %add3A_217 = arith.addi %mul3A_2, %add3A_216 : i32
    %dma_wait3A_218 = arith.constant 0 : i32
    %dma_wait3A_219 = tpu.memref_slice %arg4[%add3A_217, %dma_wait3A_218] : memref<32768x1024xf32, #tpu.memory_space<hbm>> -> memref<8x1024xf32, #tpu.memory_space<hbm>>
    %dma_wait3A_220 = arith.constant 0 : i32
    %dma_wait3A_221 = tpu.memref_slice %arg4[%add3A_217, %dma_wait3A_220] : memref<32768x1024xf32, #tpu.memory_space<hbm>> -> memref<8x1024xf32, #tpu.memory_space<hbm>>
    tpu.wait_dma2 semaphore(%arg30 : memref<!tpu.dma_semaphore, #tpu.memory_space<semaphore_mem>>) src(%arg13 : memref<8x1024xf32, #tpu.memory_space<vmem>>) dst(%dma_wait3A_221 : memref<8x1024xf32, #tpu.memory_space<hbm>>)
    return
  }
}

</mosaic_0001>

<sc_bundles>
// kernel: kernel.3.cloned.1.call-start
scs
__scs_entry_jumppad:
0x0: {  	(pc) =	sbr.rel $0x88, $3  }
0x1: {  	(tag) =	ssettag $0x0;
	lr =	simm.s32 $0x1  }
0x2: {  	[smem:$0x3F9F] =	sst lr;
	_ =	strace $0xD0000000  }
0x3: {  	_ = 	snop  }
0x4: {  	_ = 	snop  }
0x5: {  	_ = 	snop  }
0x6: {  	_ = 	snop  }
0x7: {  	_ = 	snop  }
__scs_overlays_trampoline_lowered:
0x8: {  	[smem:$0x3FAE] =	sst s0  }
0x9: {  	[smem:$0x3FAF] =	sst s1  }
0xa: {  	[smem:$0x3FB0] =	sst s2  }
0xb: {  	[smem:$0x3FB1] =	sst s3  }
0xc: {  	[smem:$0x3FB2] =	sst s4  }
0xd: {  	[smem:$0x3FB3] =	sst s5  }
0xe: {  	[smem:$0x3FB4] =	sst s6  }
0xf: {  	[smem:$0x3FB5] =	sst s7  }
0x10: {  	[smem:$0x3FB6] =	sst s8  }
0x11: {  	[smem:$0x3FB7] =	sst s9;
	s0 =	simm.s32 @!p0 $0x0  }
0x12: {  	s1 =	sld [smem:$0x3F9D];
	s0 =	simm.s32 @p0 $0x1  }
0x13: {  	[smem:$0x3FB8] =	sst s0;
	s0 =	simm.s32 @!p1 $0x0  }
0x14: {  	s2 =	sld [smem:$0x3F9C];
	s0 =	simm.s32 @p1 $0x1  }
0x15: {  	[smem:$0x3FB9] =	sst s0;
	s0 =	simm.s32 @!p2 $0x0  }
0x16: {  	s3 =	sld [smem:$0x3FDB];
	s0 =	simm.s32 @p2 $0x1  }
0x17: {  	s4 =	simm.s32 $0x1BF5;
	[smem:$0x3FBB] =	sst s0  }
0x18: {  	s0 =	sld [smem:$0x3F9E];
	_ =	swait.ge [sflag:s4], $0x0  }
0x19: {  	s7 =	sld [smem:$0x3F9F]  }
0x1a: {  	s8 =	sadd.s32 $0xFFFFE003, lr  }
0x1b: {  	s9 =	sadd.s32 $0xFFFFFEF7, lr;
	s5 =	simm.s32 $0xFFFFFFFF;
	p2 =	slt.u32 s8, $0xFFFFF086  }
0x1c: {  	p1 =	slt.u32 s9, $0xF7A;
	s5 =	simm.s32 @!p2 $0x0  }
0x1d: {  	s5 =	simm.s32 @p1 $0x1;
	p0 =	seq.s32 s7, s2  }
0x1e: {  	s7 =	smul.u32 @!p0 $0xF7A, s2;
	p2 =	seq.s32 @!p0 s5, $0x0  }
0x1f: {  	s9 =	smul.u32 $0xF7A, s1;
	s8 =	simm.s32 @!p0 $0x1BF5;
	p2 =	por !p2, p0  }
0x20: {  	[sflag:s8] =	ssyncset.s32 @!p0 $0xFFFFF086;
	s6 =	sadd.s32 @!p0 s3, s7;
	s7 =	simm.s32 @!p0 $0x108  }
0x21: {  	s3 =	sadd.s32 s3, s9;
	s6 =	sadd.s32 @!p0 $0x88, s6;
	s7 =	simm.s32 @p2 $0x1082  }
0x22: {  	[simem:s7], [sflag:s8] =	dma.local @!p0 [hbm:s6], $0xF7A  }
0x23: {  	s9 =	sor.u32 $0xD0000000, s2;
	s6 =	simm.s32 $0x108;
	_ =	swait.ge @!p0 [sflag:s8], $0x0  }
0x24: {  	s3 =	sadd.s32 $0x88, s3;
	s6 =	simm.s32 @!p1 $0x1082;
	[sflag:s4] =	ssyncset.s32 $0xFFFFF086  }
0x25: {  	[simem:s6], [sflag:s4] =	dma.local [hbm:s3], $0xF7A  }
0x26: {  	[smem:$0x3F9F] =	sst s1;
	(tag) =	ssettag s2;
	_ =	strace s9  }
0x27: {  	s1 =	sld [smem:$0x3FAF]  }
0x28: {  	s2 =	sld [smem:$0x3FB0]  }
0x29: {  	s4 =	sld [smem:$0x3FB2]  }
0x2a: {  	p0 =	seq.s32 s5, $0x0;
	s5 =	sld [smem:$0x3FB3]  }
0x2b: {  	s6 =	sld [smem:$0x3FB4]  }
0x2c: {  	s7 =	sld [smem:$0x3FB5]  }
0x2d: {  	s3 =	simm.s32 $0x108;
	s8 =	sld [smem:$0x3FB6]  }
0x2e: {  	s3 =	simm.s32 @!p0 $0x1082;
	s9 =	sld [smem:$0x3FB7]  }
0x2f: {  	lr =	sadd.s32 s0, s3;
	s0 =	sld [smem:$0x3FAE]  }
0x30: {  	s3 =	sld [smem:$0x3FB1]  }
0x31: {  	[smem:$0x3FBA] =	sst s10  }
0x32: {  	s10 =	sld [smem:$0x3FB8];
	_ =	sdelay $0x3  }
0x33: {  	p0 =	seq.s32 s10, $0x1;
	s10 =	sld [smem:$0x3FBA];
	_ =	sdelay $0x3  }
0x34: {  	[smem:$0x3FBA] =	sst s10  }
0x35: {  	s10 =	sld [smem:$0x3FB9];
	_ =	sdelay $0x3  }
0x36: {  	p1 =	seq.s32 s10, $0x1;
	s10 =	sld [smem:$0x3FBA];
	_ =	sdelay $0x3  }
0x37: {  	[smem:$0x3FBA] =	sst s10  }
0x38: {  	s10 =	sld [smem:$0x3FBB]  }
0x39: {  	_ = 	snop;
	(pc) =	sbr.ind lr, $3  }
0x3a: {  	_ = 	snop  }
0x3b: {  	_ = 	snop  }
0x3c: {  	p2 =	seq.s32 s10, $0x1;
	s10 =	sld [smem:$0x3FBA]  }
0x3d: {  	_ =	shalt  }
0x3e: {  	_ =	shalt  }
0x3f: {  	_ =	shalt  }
0x40: {  	_ =	shalt  }
0x41: {  	_ =	shalt  }
0x42: {  	_ =	shalt  }
0x43: {  	_ =	shalt  }
0x44: {  	_ =	shalt  }
0x45: {  	_ =	shalt  }
0x46: {  	_ =	shalt  }
0x47: {  	_ =	shalt  }
0x48: {  	_ =	shalt  }
0x49: {  	_ =	shalt  }
0x4a: {  	_ =	shalt  }
0x4b: {  	_ =	shalt  }
0x4c: {  	_ =	shalt  }
0x4d: {  	_ =	shalt  }
0x4e: {  	_ =	shalt  }
0x4f: {  	_ =	shalt  }
0x50: {  	_ =	shalt  }
0x51: {  	_ =	shalt  }
0x52: {  	_ =	shalt  }
0x53: {  	_ =	shalt  }
0x54: {  	_ =	shalt  }
0x55: {  	_ =	shalt  }
0x56: {  	_ =	shalt  }
0x57: {  	_ =	shalt  }
0x58: {  	_ =	shalt  }
0x59: {  	_ =	shalt  }
0x5a: {  	_ =	shalt  }
0x5b: {  	_ =	shalt  }
0x5c: {  	_ =	shalt  }
0x5d: {  	_ =	shalt  }
0x5e: {  	_ =	shalt  }
0x5f: {  	_ =	shalt  }
0x60: {  	_ =	shalt  }
0x61: {  	_ =	shalt  }
0x62: {  	_ =	shalt  }
0x63: {  	_ =	shalt  }
0x64: {  	_ =	shalt  }
0x65: {  	_ =	shalt  }
0x66: {  	_ =	shalt  }
0x67: {  	_ =	shalt  }
0x68: {  	_ =	shalt  }
0x69: {  	_ =	shalt  }
0x6a: {  	_ =	shalt  }
0x6b: {  	_ =	shalt  }
0x6c: {  	_ =	shalt  }
0x6d: {  	_ =	shalt  }
0x6e: {  	_ =	shalt  }
0x6f: {  	_ =	shalt  }
0x70: {  	_ =	shalt  }
0x71: {  	_ =	shalt  }
0x72: {  	_ =	shalt  }
0x73: {  	_ =	shalt  }
0x74: {  	_ =	shalt  }
0x75: {  	_ =	shalt  }
0x76: {  	_ =	shalt  }
0x77: {  	_ =	shalt  }
0x78: {  	_ =	shalt  }
0x79: {  	_ =	shalt  }
0x7a: {  	_ =	shalt  }
0x7b: {  	_ =	shalt  }
0x7c: {  	_ =	shalt  }
0x7d: {  	_ =	shalt  }
0x7e: {  	_ =	shalt  }
0x7f: {  	_ =	shalt  }
0x80: {  	_ =	shalt  }
0x81: {  	_ =	shalt  }
0x82: {  	_ =	shalt  }
0x83: {  	_ =	shalt  }
0x84: {  	_ =	shalt  }
0x85: {  	_ =	shalt  }
0x86: {  	_ =	shalt  }
0x87: {  	_ =	shalt  }
.Lfunc_end0:
.L_simem_size_0:
called_computation_lowered:
.L_overlay_start_0:
0x88: {  	s2 =	sld [smem:$0x3FD9]  }
0x89: {  	s3 =	sld [smem:$0x3FFE];
	_ =	sdelay $0x1  }
0x8a: {  	s1 =	srdreg.scid  }
0x8b: {  	s0 =	sand.u32 $0x1, s1  }
0x8c: {  	s18 =	sshll.u32 s0, $0xA;
	s2 =	sadd.s32 s3, s2  }
0x8d: {  	s2 =	sadd.s32 s2, s18  }
0x8e: {  	[smem:$0x3FC6] =	sst s2  }
0x8f: {  	_ = 	snop  }
0x90: {  	s2 =	sld [smem:$0x3FC9]  }
0x91: {  	s19 =	sld [smem:$0x3FC8]  }
0x92: {  	s4 =	sld [smem:$0x3FD0];
	(tm) =	ssettm $0x1  }
0x93: {  	s5 =	sld [smem:$0x3FFB];
	_ =	sdelay $0x3  }
0x94: {  	_ =	strace s5  }
0x95: {  	s5 =	sld [smem:$0x3FFC];
	_ =	sdelay $0x3  }
0x96: {  	_ =	strace s5  }
0x97: {  	s5 =	sld [smem:$0x3FFD];
	_ =	sdelay $0x3  }
0x98: {  	_ =	strace s5  }
0x99: {  	_ =	strace $0x8FFFFFFF  }
0x9a: {  	s20 =	sld [smem:$0x3FDB];
	_ =	sdelay $0x1  }
0x9b: {  	s6 =	simm.s32 $_scs_section_size  }
0x9c: {  	s7 =	simm.s32 $_size__tile_overlayer_lowered;
	s8 =	simm.s32 $_tile_overlayer_lowered  }
0x9d: {  	s23 =	simm.s32 $0x1BFF;
	s22 =	sshll.u32 s8, $0x1;
	s5 =	sadd.s32 s6, s20  }
0x9e: {  	s9 =	simm.s32 $0x0;
	s21 =	sshll.u32 s7, $0x1;
	s7 =	sadd.s32 s22, s5  }
0x9f: {  	[timem:s9], [sflag:s23] =	dma.local [hbm:s7], s21  }
0xa0: {  	_ =	swait.ge [sflag:s23], s21  }
0xa1: {  	s6 =	ssub.s32 $0x0, s21;
	[sflag:s23] =	ssyncset.done $0x0  }
0xa2: {  	[sflag:s23] =	ssyncadd.s32 s6;
	_ =	sdelay $0x1  }
0xa3: {  	s24 =	simm.s32 $0x1B8B  }
0xa4: {  	_ =	swait.ge [sflag:s24], $0x1  }
0xa5: {  	[sflag:s24] =	ssyncset.done $0x0  }
0xa6: {  	s25 =	simm.s32 $0x1B8E;
	[sflag:s24] =	ssyncadd.s32 $0xFFFFFFFF  }
0xa7: {  	s26 =	simm.s32 $execute0_lowered;
	[smem:$0x3FD2] =	sst s25  }
0xa8: {  	s6 =	sshll.u32 s26, $0x1;
	_ =	strace $0x80000046;
	[dreg:$0x1] =	wrdreg $0xFFFFFFFF  }
0xa9: {  	s28 =	simm.s32 $_size_execute0_lowered;
	s5 =	sadd.s32 s5, s6;
	[dreg:$0x0] =	wrdreg $0x0  }
0xaa: {  	s6 =	sshll.u32 s28, $0x1;
	[dreg:$0x2] =	wrdreg s5  }
0xab: {  	[dreg:$0x3] =	wrdreg s6  }
0xac: {  	[dreg:$0x4] =	wrdreg $0xC0  }
0xad: {  	_ =	task [dreg:s9], $0x5FFFF  }
0xae: {  	[dreg:$0x1] =	wrdreg $0xFFFFFFFF  }
0xaf: {  	[dreg:$0x0] =	wrdreg $0x60  }
0xb0: {  	[dreg:$0x2] =	wrdreg s19  }
0xb1: {  	[dreg:$0x3] =	wrdreg s2  }
0xb2: {  	[dreg:$0x4] =	wrdreg s4  }
0xb3: {  	[dreg:$0x5] =	wrdreg $0x9  }
0xb4: {  	_ =	task.clear_ibuf [dreg:s9], $0x6FFFF;
	_ =	strace $0x90000046  }
0xb5: {  	s29 =	simm.s32 $0x9;
	_ =	strace $0x80000048  }
0xb6: {  	_ =	swait.ge [sflag:s29], $0x1  }
0xb7: {  	[sflag:s29] =	ssyncadd.s32 $0xFFFFFFFF  }
0xb8: {  	_ =	strace $0x90000048  }
0xb9: {  	_ =	sfence  }
0xba: {  	s30 =	sld [smem:$0x0];
	_ =	sdelay $0x2  }
0xbb: {  	s31 =	sshll.u32 s1, $0xD;
	s1 =	sshrl.u32 s1, $0x2  }
0xbc: {  	s3 =	sand.u32 $0x4000, s31;
	s1 =	sadd.s32 s1, s30  }
0xbd: {  	s0 =	sor.u32 s3, s0;
	s1 =	sshll.u32 s1, $0x11  }
0xbe: {  	s0 =	sor.u32 s1, s0  }
0xbf: {  	s0 =	sadd.s32 $0x8F2B, s0  }
0xc0: {  	[sflag:s0] =	ssyncadd.remote.s32 $0x1  }
0xc1: {  	_ =	sfence.sel $0xFFFF  }
0xc2: {  	[dreg:$0x0] =	wrdreg $0xFFFFFFFF;
	(pc) =	sbr.abs _section_cstart, $3  }
0xc3: {  	[dreg:$0x1] =	wrdreg $0xFFFFFFFF  }
0xc4: {  	_ =	task.clear_ibuf [dreg:s9], $0x2FFFF;
	_ =	strace $0x9FFFFFFF  }
0xc5: {  	(tm) =	ssettm $0x7FFFFFFF  }
tec
execute0_lowered:
.L_overlay_start_1:
0x0: {  	(tag) =	ssettag $0x1  }
0x1: {  	s1 =	rddreg [dreg:$0x0]  }
0x2: {  	s0 =	rddreg [dreg:$0x1]  }
0x3: {  	s2 =	rddreg [dreg:$0x2];
	s3 =	simm.s32 $0x0;
	s4 =	srdreg.scid  }
0x4: {  	s10 =	stileid.u32;
	s29 =	simm.s32 $0x400;
	s28 =	simm.s32 $0x1C00  }
0x5: {  	s12 =	simm.s32 $0x4400;
	s30 =	simm.s32 $0x6C00;
	s31 =	simm.s32 $0x8400  }
0x6: {  	s11 =	simm.s32 $0x0;
	[smem:$0x7FF] =	sst s3;
	s4 =	sand.u32 $0x1, s4  }
0x7: {  	s5 =	sshll.u32 s10, $0x1;
	s14 =	sshll.u32 s10, $0x2;
	s22 =	sshll.u32 s10, $0x12  }
0x8: {  	s10 =	simm.s32 $0xE400;
	_ =	strace $0x80000047;
	s6 =	ssub.s32 $0x2, s4  }
0x9: {  	s7 =	sor.u32 s4, s5;
	s5 =	sand.u32 $0x30, s14;
	s4 =	sshll.u32 s4, $0x11  }
0xa: {  	s14 =	simm.s32 $0x4;
	s8 =	sshrl.u32 s6, $0x1;
	s9 =	sshll.u32 s7, $0x9  }
0xb: {  	s0 =	sadd.s32 s0, s5;
	s5 =	sadd.s32 $0x100, s1;
	s15 =	sand.u32 $0xE00, s9  }
0xc: {  	s16 =	sshll.u32 s7, $0x11;
	s8 =	ssub.s32 s6, s8;
	s0 =	sadd.s32 s15, s0  }
0xd: {  	s26 =	smax.u32 s8, $0x1;
	[dreg:$0x5] =	wrdreg s0;
	s0 =	sadd.s32 s16, s2  }
0xe: {  	s7 =	sadd.s32 $0x300, s1;
	[dreg:$0xe] =	wrdreg s26;
	s17 =	sadd.s32 $0x1E000, s0  }
0xf: {  	s6 =	sadd.s32 $0x200, s1;
	s18 =	sadd.s32 $0x1E400, s0;
	[dreg:$0x6] =	wrdreg s17  }
0x10: {  	s9 =	simm.s32 $0xCC00;
	s19 =	sadd.s32 $0x1E800, s0;
	[dreg:$0x7] =	wrdreg s18  }
0x11: {  	s8 =	simm.s32 $0x2400;
	s20 =	sadd.s32 $0x1EC00, s0;
	[dreg:$0x8] =	wrdreg s19  }
0x12: {  	s15 =	simm.s32 $0x5;
	s21 =	sadd.s32 $0x1F000, s0;
	[dreg:$0x9] =	wrdreg s20  }
0x13: {  	s2 =	sadd.s32 s22, s2;
	s23 =	sadd.s32 $0x1F400, s0;
	[dreg:$0xa] =	wrdreg s21  }
0x14: {  	s16 =	simm.s32 $0x4C00;
	s24 =	sadd.s32 $0x1F800, s0;
	[dreg:$0xb] =	wrdreg s23  }
0x15: {  	s22 =	simm.s32 $0x8;
	s0 =	sadd.s32 $0x1FC00, s0;
	[dreg:$0xc] =	wrdreg s24  }
0x16: {  	s25 =	sadd.s32 s4, s2;
	s2 =	simm.s32 $0xC00;
	[dreg:$0xd] =	wrdreg s0  }
0x17: {  	v0 =	vlaneseq.u32;
	s4 =	simm.s32 $0xC400;
	[dreg:$0x4] =	wrdreg s25;
	s23 =	simm.s32 $0x6400  }
0x18: {  	v1 =	vshrl.u32 v0, $0x3;
	s0 =	simm.s32 $0x8C00;
	s17 =	simm.s32 $0xA400;
	s18 =	simm.s32 $0xAC00  }
0x19: {  	vm0 =	vmmov $0xffff;
	v0 =	vand.u32 $0x7, v0;
	v1 =	vmul.u32 $0x8, v1;
	s19 =	simm.s32 $0x6;
	s21 =	simm.s32 $0x7;
	s25 =	simm.s32 $0x9  }
.LBB2_1:
0x1a: {  	s20 =	rddreg [dreg:$0x5];
	s24 =	simm.s32 $0x80;
	s26 =	simm.s32 $0x200  }
0x1b: {  	[tilespmem:s3], [sflag:$0x1] =	stream.strided.gather [hbm4b:s20+s24], $0x400, s26, s24, $0x38;
	[tilespmem:$0x10400] =	vst v63  }
0x1c: {  	[dreg:$0xf] =	wrdreg s11;
	s26 =	simm.s32 $0x1  }
0x1d: {  	_ =	swait.ge [sflag:s26], $0x400  }
0x1e: {  	[sflag:s26] =	ssyncset.done $0x0  }
0x1f: {  	[sflag:s26] =	ssyncadd.s32 $0xFFFFFC00  }
0x20: {  	v2 =	vld.msk [tilespmem:$0x0], $0xff;
	_ =	sdelay $0x4  }
0x21: {  	v3 =	vshll.u32 v2, $0x3  }
0x22: {  	v2 =	vand.u32 $0x7, v2;
	v3 =	vand.u32 $0xFFFFFFC0, v3  }
0x23: {  	v2 =	vor.u32 v2, v3  }
0x24: {  	v2 =	vperm.xlane v2, v0;
	_ =	sdelay $0x1  }
0x25: {  	v2 =	vadd.s32 v1, v2;
	_ =	sdelay $0x4  }
0x26: {  	[tilespmem:s29], [sflag:$0x2] =	stream.indirect_vreg.gather [hbm4b:s1+s3], $0x80, v2, vm0, $0xb8;
	[tilespmem:$0x10400] =	vst v63  }
0x27: {  	_ = 	snop  }
0x28: {  	[tilespmem:s2], [sflag:$0x2] =	stream.indirect_vreg.gather [hbm4b:s5+s3], $0x80, v2, vm0, $0xb8;
	[tilespmem:$0x10400] =	vst v63  }
0x29: {  	s29 =	simm.s32 $0x1400  }
0x2a: {  	[tilespmem:s29], [sflag:$0x2] =	stream.indirect_vreg.gather [hbm4b:s6+s3], $0x80, v2, vm0, $0xb8;
	[tilespmem:$0x10400] =	vst v63  }
0x2b: {  	_ = 	snop  }
0x2c: {  	[tilespmem:s28], [sflag:$0x2] =	stream.indirect_vreg.gather [hbm4b:s7+s3], $0x80, v2, vm0, $0xb8;
	[tilespmem:$0x10400] =	vst v63  }
0x2d: {  	v2 =	vld.msk [tilespmem:$0x8], $0xff;
	_ =	sdelay $0x4  }
0x2e: {  	v3 =	vshll.u32 v2, $0x3  }
0x2f: {  	v2 =	vand.u32 $0x7, v2;
	v3 =	vand.u32 $0xFFFFFFC0, v3  }
0x30: {  	v2 =	vor.u32 v2, v3  }
0x31: {  	v2 =	vperm.xlane v2, v0;
	_ =	sdelay $0x1  }
0x32: {  	v2 =	vadd.s32 v1, v2;
	_ =	sdelay $0x4  }
0x33: {  	[tilespmem:s8], [sflag:$0x3] =	stream.indirect_vreg.gather [hbm4b:s1+s3], $0x80, v2, vm0, $0xb8;
	[tilespmem:$0x10400] =	vst v63  }
0x34: {  	s8 =	simm.s32 $0x2C00  }
0x35: {  	[tilespmem:s8], [sflag:$0x3] =	stream.indirect_vreg.gather [hbm4b:s5+s3], $0x80, v2, vm0, $0xb8;
	[tilespmem:$0x10400] =	vst v63  }
0x36: {  	s20 =	simm.s32 $0x3400  }
0x37: {  	[tilespmem:s20], [sflag:$0x3] =	stream.indirect_vreg.gather [hbm4b:s6+s3], $0x80, v2, vm0, $0xb8;
	[tilespmem:$0x10400] =	vst v63  }
0x38: {  	s24 =	simm.s32 $0x3C00  }
0x39: {  	[tilespmem:s24], [sflag:$0x3] =	stream.indirect_vreg.gather [hbm4b:s7+s3], $0x80, v2, vm0, $0xb8;
	[tilespmem:$0x10400] =	vst v63  }
0x3a: {  	v2 =	vld.msk [tilespmem:$0x10], $0xff;
	_ =	sdelay $0x4  }
0x3b: {  	v3 =	vshll.u32 v2, $0x3  }
0x3c: {  	v2 =	vand.u32 $0x7, v2;
	v3 =	vand.u32 $0xFFFFFFC0, v3  }
0x3d: {  	v2 =	vor.u32 v2, v3  }
0x3e: {  	v2 =	vperm.xlane v2, v0;
	_ =	sdelay $0x1  }
0x3f: {  	v2 =	vadd.s32 v1, v2;
	_ =	sdelay $0x4  }
0x40: {  	[tilespmem:s12], [sflag:$0x4] =	stream.indirect_vreg.gather [hbm4b:s1+s3], $0x80, v2, vm0, $0xb8;
	[tilespmem:$0x10400] =	vst v63  }
0x41: {  	_ = 	snop  }
0x42: {  	[tilespmem:s16], [sflag:$0x4] =	stream.indirect_vreg.gather [hbm4b:s5+s3], $0x80, v2, vm0, $0xb8;
	[tilespmem:$0x10400] =	vst v63  }
0x43: {  	s26 =	simm.s32 $0x5400  }
0x44: {  	[tilespmem:s26], [sflag:$0x4] =	stream.indirect_vreg.gather [hbm4b:s6+s3], $0x80, v2, vm0, $0xb8;
	[tilespmem:$0x10400] =	vst v63  }
0x45: {  	s29 =	simm.s32 $0x5C00  }
0x46: {  	[tilespmem:s29], [sflag:$0x4] =	stream.indirect_vreg.gather [hbm4b:s7+s3], $0x80, v2, vm0, $0xb8;
	[tilespmem:$0x10400] =	vst v63  }
0x47: {  	v2 =	vld.msk [tilespmem:$0x18], $0xff;
	_ =	sdelay $0x4  }
0x48: {  	v3 =	vshll.u32 v2, $0x3  }
0x49: {  	v2 =	vand.u32 $0x7, v2;
	v3 =	vand.u32 $0xFFFFFFC0, v3  }
0x4a: {  	v2 =	vor.u32 v2, v3  }
0x4b: {  	v2 =	vperm.xlane v2, v0;
	_ =	sdelay $0x1  }
0x4c: {  	v2 =	vadd.s32 v1, v2;
	_ =	sdelay $0x4  }
0x4d: {  	[tilespmem:s23], [sflag:$0x5] =	stream.indirect_vreg.gather [hbm4b:s1+s3], $0x80, v2, vm0, $0xb8;
	[tilespmem:$0x10400] =	vst v63  }
0x4e: {  	_ = 	snop  }
0x4f: {  	[tilespmem:s30], [sflag:$0x5] =	stream.indirect_vreg.gather [hbm4b:s5+s3], $0x80, v2, vm0, $0xb8;
	[tilespmem:$0x10400] =	vst v63  }
0x50: {  	s30 =	simm.s32 $0x7400  }
0x51: {  	[tilespmem:s30], [sflag:$0x5] =	stream.indirect_vreg.gather [hbm4b:s6+s3], $0x80, v2, vm0, $0xb8;
	[tilespmem:$0x10400] =	vst v63  }
0x52: {  	s8 =	simm.s32 $0x7C00  }
0x53: {  	[tilespmem:s8], [sflag:$0x5] =	stream.indirect_vreg.gather [hbm4b:s7+s3], $0x80, v2, vm0, $0xb8;
	[tilespmem:$0x10400] =	vst v63  }
0x54: {  	v2 =	vld.msk [tilespmem:$0x20], $0xff;
	_ =	sdelay $0x4  }
0x55: {  	v3 =	vshll.u32 v2, $0x3  }
0x56: {  	v2 =	vand.u32 $0x7, v2;
	v3 =	vand.u32 $0xFFFFFFC0, v3  }
0x57: {  	v2 =	vor.u32 v2, v3  }
0x58: {  	v2 =	vperm.xlane v2, v0;
	_ =	sdelay $0x1  }
0x59: {  	v2 =	vadd.s32 v1, v2;
	_ =	sdelay $0x4  }
0x5a: {  	[tilespmem:s31], [sflag:$0x6] =	stream.indirect_vreg.gather [hbm4b:s1+s3], $0x80, v2, vm0, $0xb8;
	[tilespmem:$0x10400] =	vst v63  }
0x5b: {  	_ = 	snop  }
0x5c: {  	[tilespmem:s0], [sflag:$0x6] =	stream.indirect_vreg.gather [hbm4b:s5+s3], $0x80, v2, vm0, $0xb8;
	[tilespmem:$0x10400] =	vst v63  }
0x5d: {  	s12 =	simm.s32 $0x9400  }
0x5e: {  	[tilespmem:s12], [sflag:$0x6] =	stream.indirect_vreg.gather [hbm4b:s6+s3], $0x80, v2, vm0, $0xb8;
	[tilespmem:$0x10400] =	vst v63  }
0x5f: {  	s16 =	simm.s32 $0x9C00  }
0x60: {  	[tilespmem:s16], [sflag:$0x6] =	stream.indirect_vreg.gather [hbm4b:s7+s3], $0x80, v2, vm0, $0xb8;
	[tilespmem:$0x10400] =	vst v63  }
0x61: {  	v2 =	vld.msk [tilespmem:$0x28], $0xff;
	_ =	sdelay $0x4  }
0x62: {  	v3 =	vshll.u32 v2, $0x3  }
0x63: {  	v2 =	vand.u32 $0x7, v2;
	v3 =	vand.u32 $0xFFFFFFC0, v3  }
0x64: {  	v2 =	vor.u32 v2, v3  }
0x65: {  	v2 =	vperm.xlane v2, v0;
	_ =	sdelay $0x1  }
0x66: {  	v2 =	vadd.s32 v1, v2;
	_ =	sdelay $0x4  }
0x67: {  	[tilespmem:s17], [sflag:$0x7] =	stream.indirect_vreg.gather [hbm4b:s1+s3], $0x80, v2, vm0, $0xb8;
	[tilespmem:$0x10400] =	vst v63  }
0x68: {  	_ = 	snop  }
0x69: {  	[tilespmem:s18], [sflag:$0x7] =	stream.indirect_vreg.gather [hbm4b:s5+s3], $0x80, v2, vm0, $0xb8;
	[tilespmem:$0x10400] =	vst v63  }
0x6a: {  	s20 =	simm.s32 $0xB400  }
0x6b: {  	[tilespmem:s20], [sflag:$0x7] =	stream.indirect_vreg.gather [hbm4b:s6+s3], $0x80, v2, vm0, $0xb8;
	[tilespmem:$0x10400] =	vst v63  }
0x6c: {  	s23 =	simm.s32 $0xBC00  }
0x6d: {  	[tilespmem:s23], [sflag:$0x7] =	stream.indirect_vreg.gather [hbm4b:s7+s3], $0x80, v2, vm0, $0xb8;
	[tilespmem:$0x10400] =	vst v63  }
0x6e: {  	v2 =	vld.msk [tilespmem:$0x30], $0xff;
	_ =	sdelay $0x4  }
0x6f: {  	v3 =	vshll.u32 v2, $0x3  }
0x70: {  	v2 =	vand.u32 $0x7, v2;
	v3 =	vand.u32 $0xFFFFFFC0, v3  }
0x71: {  	v2 =	vor.u32 v2, v3  }
0x72: {  	v2 =	vperm.xlane v2, v0;
	_ =	sdelay $0x1  }
0x73: {  	v2 =	vadd.s32 v1, v2;
	_ =	sdelay $0x4  }
0x74: {  	[tilespmem:s4], [sflag:$0x8] =	stream.indirect_vreg.gather [hbm4b:s1+s3], $0x80, v2, vm0, $0xb8;
	[tilespmem:$0x10400] =	vst v63  }
0x75: {  	_ = 	snop  }
0x76: {  	[tilespmem:s9], [sflag:$0x8] =	stream.indirect_vreg.gather [hbm4b:s5+s3], $0x80, v2, vm0, $0xb8;
	[tilespmem:$0x10400] =	vst v63  }
0x77: {  	s24 =	simm.s32 $0xD400  }
0x78: {  	[tilespmem:s24], [sflag:$0x8] =	stream.indirect_vreg.gather [hbm4b:s6+s3], $0x80, v2, vm0, $0xb8;
	[tilespmem:$0x10400] =	vst v63  }
0x79: {  	s26 =	simm.s32 $0xDC00  }
0x7a: {  	[tilespmem:s26], [sflag:$0x8] =	stream.indirect_vreg.gather [hbm4b:s7+s3], $0x80, v2, vm0, $0xb8;
	[tilespmem:$0x10400] =	vst v63  }
0x7b: {  	v2 =	vld.msk [tilespmem:$0x38], $0xff;
	_ =	sdelay $0x4  }
0x7c: {  	v3 =	vshll.u32 v2, $0x3  }
0x7d: {  	v2 =	vand.u32 $0x7, v2;
	v3 =	vand.u32 $0xFFFFFFC0, v3  }
0x7e: {  	v2 =	vor.u32 v2, v3  }
0x7f: {  	v2 =	vperm.xlane v2, v0;
	_ =	sdelay $0x1  }
0x80: {  	v2 =	vadd.s32 v1, v2;
	_ =	sdelay $0x4  }
0x81: {  	[tilespmem:s10], [sflag:$0x9] =	stream.indirect_vreg.gather [hbm4b:s1+s3], $0x80, v2, vm0, $0xb8;
	[tilespmem:$0x10400] =	vst v63  }
0x82: {  	s29 =	simm.s32 $0xEC00  }
0x83: {  	[tilespmem:s29], [sflag:$0x9] =	stream.indirect_vreg.gather [hbm4b:s5+s3], $0x80, v2, vm0, $0xb8;
	[tilespmem:$0x10400] =	vst v63  }
0x84: {  	s13 =	simm.s32 $0x3;
	s11 =	simm.s32 $0x2;
	s30 =	simm.s32 $0xF400  }
0x85: {  	[tilespmem:s30], [sflag:$0x9] =	stream.indirect_vreg.gather [hbm4b:s6+s3], $0x80, v2, vm0, $0xb8;
	[tilespmem:$0x10400] =	vst v63  }
0x86: {  	s28 =	simm.s32 $0x0;
	s31 =	simm.s32 $0xFC00;
	s26 =	simm.s32 $0x78  }
0x87: {  	[tilespmem:s31], [sflag:$0x9] =	stream.indirect_vreg.gather [hbm4b:s7+s3], $0x80, v2, vm0, $0xb8;
	[tilespmem:$0x10400] =	vst v63  }
.LBB2_2:
0x88: {  	_ =	swait.ge [sflag:s11], $0x2000  }
0x89: {  	s20 =	rddreg [dreg:$0x4];
	[sflag:s11] =	ssyncset.done $0x0  }
0x8a: {  	s2 =	simm.s32 $0x400;
	[sflag:s11] =	ssyncadd.s32 $0xFFFFE000;
	s20 =	sadd.s32 s28, s20  }
0x8b: {  	[hbm4b:s20+s3] =	stream.linear.scatter [tilespmem:s2], [sflag:$0xA], $0x2000, $0x38;
	[tilespmem:$0x10400] =	vst v63  }
0x8c: {  	_ =	swait.ge [sflag:s13], $0x2000  }
0x8d: {  	[sflag:s13] =	ssyncset.done $0x0  }
0x8e: {  	s12 =	simm.s32 $0x2400;
	s24 =	sadd.s32 $0x400, s20;
	[sflag:s13] =	ssyncadd.s32 $0xFFFFE000  }
0x8f: {  	[hbm4b:s24+s3] =	stream.linear.scatter [tilespmem:s12], [sflag:$0xB], $0x2000, $0x38;
	[tilespmem:$0x10400] =	vst v63  }
0x90: {  	_ =	swait.ge [sflag:s14], $0x2000  }
0x91: {  	[sflag:s14] =	ssyncset.done $0x0  }
0x92: {  	s16 =	simm.s32 $0x4400;
	s10 =	sadd.s32 $0x800, s20;
	[sflag:s14] =	ssyncadd.s32 $0xFFFFE000  }
0x93: {  	[hbm4b:s10+s3] =	stream.linear.scatter [tilespmem:s16], [sflag:$0xC], $0x2000, $0x38;
	[tilespmem:$0x10400] =	vst v63  }
0x94: {  	_ =	swait.ge [sflag:s15], $0x2000  }
0x95: {  	[sflag:s15] =	ssyncset.done $0x0  }
0x96: {  	s30 =	simm.s32 $0x6400;
	s17 =	sadd.s32 $0xC00, s20;
	[sflag:s15] =	ssyncadd.s32 $0xFFFFE000  }
0x97: {  	[hbm4b:s17+s3] =	stream.linear.scatter [tilespmem:s30], [sflag:$0xD], $0x2000, $0x38;
	[tilespmem:$0x10400] =	vst v63  }
0x98: {  	_ =	swait.ge [sflag:s19], $0x2000  }
0x99: {  	[sflag:s19] =	ssyncset.done $0x0  }
0x9a: {  	s0 =	simm.s32 $0x8400;
	s18 =	sadd.s32 $0x1000, s20;
	[sflag:s19] =	ssyncadd.s32 $0xFFFFE000  }
0x9b: {  	[hbm4b:s18+s3] =	stream.linear.scatter [tilespmem:s0], [sflag:$0xE], $0x2000, $0x38;
	[tilespmem:$0x10400] =	vst v63  }
0x9c: {  	_ =	swait.ge [sflag:s21], $0x2000  }
0x9d: {  	[sflag:s21] =	ssyncset.done $0x0  }
0x9e: {  	s23 =	sadd.s32 $0x1400, s20;
	s18 =	simm.s32 $0xA400;
	[sflag:s21] =	ssyncadd.s32 $0xFFFFE000  }
0x9f: {  	[hbm4b:s23+s3] =	stream.linear.scatter [tilespmem:s18], [sflag:$0xF], $0x2000, $0x38;
	[tilespmem:$0x10400] =	vst v63  }
0xa0: {  	_ =	swait.ge [sflag:s22], $0x2000  }
0xa1: {  	[sflag:s22] =	ssyncset.done $0x0  }
0xa2: {  	s9 =	simm.s32 $0xC400;
	s4 =	sadd.s32 $0x1800, s20;
	[sflag:s22] =	ssyncadd.s32 $0xFFFFE000  }
0xa3: {  	[hbm4b:s4+s3] =	stream.linear.scatter [tilespmem:s9], [sflag:$0x10], $0x2000, $0x38;
	[tilespmem:$0x10400] =	vst v63  }
0xa4: {  	_ =	swait.ge [sflag:s25], $0x2000  }
0xa5: {  	s20 =	sadd.s32 $0x1C00, s20;
	[sflag:s25] =	ssyncset.done $0x0  }
0xa6: {  	s24 =	simm.s32 $0xE400;
	s4 =	simm.s32 $0xA;
	[sflag:s25] =	ssyncadd.s32 $0xFFFFE000  }
0xa7: {  	[hbm4b:s20+s3] =	stream.linear.scatter [tilespmem:s24], [sflag:$0x11], $0x2000, $0x38;
	[tilespmem:$0x10400] =	vst v63  }
0xa8: {  	_ =	swait.ge [sflag:s4], $0x2000  }
0xa9: {  	[sflag:s4] =	ssyncset.done $0x0  }
0xaa: {  	[sflag:s4] =	ssyncadd.s32 $0xFFFFE000  }
0xab: {  	v2 =	vld.msk [tilespmem:s26+$0xFFFFFFC8], $0xff;
	_ =	sdelay $0x4  }
0xac: {  	v3 =	vshll.u32 v2, $0x3  }
0xad: {  	v2 =	vand.u32 $0x7, v2;
	v3 =	vand.u32 $0xFFFFFFC0, v3  }
0xae: {  	v2 =	vor.u32 v2, v3  }
0xaf: {  	v2 =	vperm.xlane v2, v0;
	_ =	sdelay $0x1  }
0xb0: {  	v2 =	vadd.s32 v1, v2;
	_ =	sdelay $0x4  }
0xb1: {  	[tilespmem:s2], [sflag:$0x2] =	stream.indirect_vreg.gather [hbm4b:s1+s3], $0x80, v2, vm0, $0xb8;
	[tilespmem:$0x10400] =	vst v63  }
0xb2: {  	s2 =	simm.s32 $0xC00  }
0xb3: {  	[tilespmem:s2], [sflag:$0x2] =	stream.indirect_vreg.gather [hbm4b:s5+s3], $0x80, v2, vm0, $0xb8;
	[tilespmem:$0x10400] =	vst v63  }
0xb4: {  	s8 =	simm.s32 $0x1400  }
0xb5: {  	[tilespmem:s8], [sflag:$0x2] =	stream.indirect_vreg.gather [hbm4b:s6+s3], $0x80, v2, vm0, $0xb8;
	[tilespmem:$0x10400] =	vst v63  }
0xb6: {  	s10 =	simm.s32 $0x1C00;
	s17 =	simm.s32 $0xB  }
0xb7: {  	[tilespmem:s10], [sflag:$0x2] =	stream.indirect_vreg.gather [hbm4b:s7+s3], $0x80, v2, vm0, $0xb8;
	[tilespmem:$0x10400] =	vst v63  }
0xb8: {  	_ =	swait.ge [sflag:s17], $0x2000  }
0xb9: {  	[sflag:s17] =	ssyncset.done $0x0  }
0xba: {  	[sflag:s17] =	ssyncadd.s32 $0xFFFFE000  }
0xbb: {  	v2 =	vld.msk [tilespmem:s26+$0xFFFFFFD0], $0xff;
	_ =	sdelay $0x4  }
0xbc: {  	v3 =	vshll.u32 v2, $0x3  }
0xbd: {  	v2 =	vand.u32 $0x7, v2;
	v3 =	vand.u32 $0xFFFFFFC0, v3  }
0xbe: {  	v2 =	vor.u32 v2, v3  }
0xbf: {  	v2 =	vperm.xlane v2, v0;
	_ =	sdelay $0x1  }
0xc0: {  	v2 =	vadd.s32 v1, v2;
	_ =	sdelay $0x4  }
0xc1: {  	[tilespmem:s12], [sflag:$0x3] =	stream.indirect_vreg.gather [hbm4b:s1+s3], $0x80, v2, vm0, $0xb8;
	[tilespmem:$0x10400] =	vst v63  }
0xc2: {  	s20 =	simm.s32 $0x2C00  }
0xc3: {  	[tilespmem:s20], [sflag:$0x3] =	stream.indirect_vreg.gather [hbm4b:s5+s3], $0x80, v2, vm0, $0xb8;
	[tilespmem:$0x10400] =	vst v63  }
0xc4: {  	s23 =	simm.s32 $0x3400  }
0xc5: {  	[tilespmem:s23], [sflag:$0x3] =	stream.indirect_vreg.gather [hbm4b:s6+s3], $0x80, v2, vm0, $0xb8;
	[tilespmem:$0x10400] =	vst v63  }
0xc6: {  	s10 =	simm.s32 $0x3C00;
	s12 =	simm.s32 $0xC  }
0xc7: {  	[tilespmem:s10], [sflag:$0x3] =	stream.indirect_vreg.gather [hbm4b:s7+s3], $0x80, v2, vm0, $0xb8;
	[tilespmem:$0x10400] =	vst v63  }
0xc8: {  	_ =	swait.ge [sflag:s12], $0x2000  }
0xc9: {  	[sflag:s12] =	ssyncset.done $0x0  }
0xca: {  	[sflag:s12] =	ssyncadd.s32 $0xFFFFE000  }
0xcb: {  	v2 =	vld.msk [tilespmem:s26+$0xFFFFFFD8], $0xff;
	_ =	sdelay $0x4  }
0xcc: {  	v3 =	vshll.u32 v2, $0x3  }
0xcd: {  	v2 =	vand.u32 $0x7, v2;
	v3 =	vand.u32 $0xFFFFFFC0, v3  }
0xce: {  	v2 =	vor.u32 v2, v3  }
0xcf: {  	v2 =	vperm.xlane v2, v0;
	_ =	sdelay $0x1  }
0xd0: {  	v2 =	vadd.s32 v1, v2;
	_ =	sdelay $0x4  }
0xd1: {  	[tilespmem:s16], [sflag:$0x4] =	stream.indirect_vreg.gather [hbm4b:s1+s3], $0x80, v2, vm0, $0xb8;
	[tilespmem:$0x10400] =	vst v63  }
0xd2: {  	s16 =	simm.s32 $0x4C00  }
0xd3: {  	[tilespmem:s16], [sflag:$0x4] =	stream.indirect_vreg.gather [hbm4b:s5+s3], $0x80, v2, vm0, $0xb8;
	[tilespmem:$0x10400] =	vst v63  }
0xd4: {  	s17 =	simm.s32 $0x5400  }
0xd5: {  	[tilespmem:s17], [sflag:$0x4] =	stream.indirect_vreg.gather [hbm4b:s6+s3], $0x80, v2, vm0, $0xb8;
	[tilespmem:$0x10400] =	vst v63  }
0xd6: {  	s20 =	simm.s32 $0x5C00;
	s23 =	simm.s32 $0xD  }
0xd7: {  	[tilespmem:s20], [sflag:$0x4] =	stream.indirect_vreg.gather [hbm4b:s7+s3], $0x80, v2, vm0, $0xb8;
	[tilespmem:$0x10400] =	vst v63  }
0xd8: {  	_ =	swait.ge [sflag:s23], $0x2000  }
0xd9: {  	[sflag:s23] =	ssyncset.done $0x0  }
0xda: {  	[sflag:s23] =	ssyncadd.s32 $0xFFFFE000  }
0xdb: {  	v2 =	vld.msk [tilespmem:s26+$0xFFFFFFE0], $0xff;
	_ =	sdelay $0x4  }
0xdc: {  	v3 =	vshll.u32 v2, $0x3  }
0xdd: {  	v2 =	vand.u32 $0x7, v2;
	v3 =	vand.u32 $0xFFFFFFC0, v3  }
0xde: {  	v2 =	vor.u32 v2, v3  }
0xdf: {  	v2 =	vperm.xlane v2, v0;
	_ =	sdelay $0x1  }
0xe0: {  	v2 =	vadd.s32 v1, v2;
	_ =	sdelay $0x4  }
0xe1: {  	[tilespmem:s30], [sflag:$0x5] =	stream.indirect_vreg.gather [hbm4b:s1+s3], $0x80, v2, vm0, $0xb8;
	[tilespmem:$0x10400] =	vst v63  }
0xe2: {  	s30 =	simm.s32 $0x6C00  }
0xe3: {  	[tilespmem:s30], [sflag:$0x5] =	stream.indirect_vreg.gather [hbm4b:s5+s3], $0x80, v2, vm0, $0xb8;
	[tilespmem:$0x10400] =	vst v63  }
0xe4: {  	s10 =	simm.s32 $0x7400  }
0xe5: {  	[tilespmem:s10], [sflag:$0x5] =	stream.indirect_vreg.gather [hbm4b:s6+s3], $0x80, v2, vm0, $0xb8;
	[tilespmem:$0x10400] =	vst v63  }
0xe6: {  	s17 =	simm.s32 $0x7C00;
	s20 =	simm.s32 $0xE  }
0xe7: {  	[tilespmem:s17], [sflag:$0x5] =	stream.indirect_vreg.gather [hbm4b:s7+s3], $0x80, v2, vm0, $0xb8;
	[tilespmem:$0x10400] =	vst v63  }
0xe8: {  	_ =	swait.ge [sflag:s20], $0x2000  }
0xe9: {  	[sflag:s20] =	ssyncset.done $0x0  }
0xea: {  	[sflag:s20] =	ssyncadd.s32 $0xFFFFE000  }
0xeb: {  	v2 =	vld.msk [tilespmem:s26+$0xFFFFFFE8], $0xff;
	_ =	sdelay $0x4  }
0xec: {  	v3 =	vshll.u32 v2, $0x3  }
0xed: {  	v2 =	vand.u32 $0x7, v2;
	v3 =	vand.u32 $0xFFFFFFC0, v3  }
0xee: {  	v2 =	vor.u32 v2, v3  }
0xef: {  	v2 =	vperm.xlane v2, v0;
	_ =	sdelay $0x1  }
0xf0: {  	v2 =	vadd.s32 v1, v2;
	_ =	sdelay $0x4  }
0xf1: {  	[tilespmem:s0], [sflag:$0x6] =	stream.indirect_vreg.gather [hbm4b:s1+s3], $0x80, v2, vm0, $0xb8;
	[tilespmem:$0x10400] =	vst v63  }
0xf2: {  	s0 =	simm.s32 $0x8C00  }
0xf3: {  	[tilespmem:s0], [sflag:$0x6] =	stream.indirect_vreg.gather [hbm4b:s5+s3], $0x80, v2, vm0, $0xb8;
	[tilespmem:$0x10400] =	vst v63  }
0xf4: {  	s10 =	simm.s32 $0x9400  }
0xf5: {  	[tilespmem:s10], [sflag:$0x6] =	stream.indirect_vreg.gather [hbm4b:s6+s3], $0x80, v2, vm0, $0xb8;
	[tilespmem:$0x10400] =	vst v63  }
0xf6: {  	s17 =	simm.s32 $0x9C00;
	s20 =	simm.s32 $0xF  }
0xf7: {  	[tilespmem:s17], [sflag:$0x6] =	stream.indirect_vreg.gather [hbm4b:s7+s3], $0x80, v2, vm0, $0xb8;
	[tilespmem:$0x10400] =	vst v63  }
0xf8: {  	_ =	swait.ge [sflag:s20], $0x2000  }
0xf9: {  	[sflag:s20] =	ssyncset.done $0x0  }
0xfa: {  	[sflag:s20] =	ssyncadd.s32 $0xFFFFE000  }
0xfb: {  	v2 =	vld.msk [tilespmem:s26+$0xFFFFFFF0], $0xff;
	_ =	sdelay $0x4  }
0xfc: {  	v3 =	vshll.u32 v2, $0x3  }
0xfd: {  	v2 =	vand.u32 $0x7, v2;
	v3 =	vand.u32 $0xFFFFFFC0, v3  }
0xfe: {  	v2 =	vor.u32 v2, v3  }
0xff: {  	v2 =	vperm.xlane v2, v0;
	_ =	sdelay $0x1  }
0x100: {  	v2 =	vadd.s32 v1, v2;
	_ =	sdelay $0x4  }
0x101: {  	[tilespmem:s18], [sflag:$0x7] =	stream.indirect_vreg.gather [hbm4b:s1+s3], $0x80, v2, vm0, $0xb8;
	[tilespmem:$0x10400] =	vst v63  }
0x102: {  	s18 =	simm.s32 $0xAC00  }
0x103: {  	[tilespmem:s18], [sflag:$0x7] =	stream.indirect_vreg.gather [hbm4b:s5+s3], $0x80, v2, vm0, $0xb8;
	[tilespmem:$0x10400] =	vst v63  }
0x104: {  	s10 =	simm.s32 $0xB400  }
0x105: {  	[tilespmem:s10], [sflag:$0x7] =	stream.indirect_vreg.gather [hbm4b:s6+s3], $0x80, v2, vm0, $0xb8;
	[tilespmem:$0x10400] =	vst v63  }
0x106: {  	s20 =	simm.s32 $0xBC00;
	s10 =	simm.s32 $0x10  }
0x107: {  	[tilespmem:s20], [sflag:$0x7] =	stream.indirect_vreg.gather [hbm4b:s7+s3], $0x80, v2, vm0, $0xb8;
	[tilespmem:$0x10400] =	vst v63  }
0x108: {  	_ =	swait.ge [sflag:s10], $0x2000  }
0x109: {  	[sflag:s10] =	ssyncset.done $0x0  }
0x10a: {  	[sflag:s10] =	ssyncadd.s32 $0xFFFFE000  }
0x10b: {  	v2 =	vld.msk [tilespmem:s26+$0xFFFFFFF8], $0xff;
	_ =	sdelay $0x4  }
0x10c: {  	v3 =	vshll.u32 v2, $0x3  }
0x10d: {  	v2 =	vand.u32 $0x7, v2;
	v3 =	vand.u32 $0xFFFFFFC0, v3  }
0x10e: {  	v2 =	vor.u32 v2, v3  }
0x10f: {  	v2 =	vperm.xlane v2, v0;
	_ =	sdelay $0x1  }
0x110: {  	v2 =	vadd.s32 v1, v2;
	_ =	sdelay $0x4  }
0x111: {  	[tilespmem:s9], [sflag:$0x8] =	stream.indirect_vreg.gather [hbm4b:s1+s3], $0x80, v2, vm0, $0xb8;
	[tilespmem:$0x10400] =	vst v63  }
0x112: {  	s9 =	simm.s32 $0xCC00  }
0x113: {  	[tilespmem:s9], [sflag:$0x8] =	stream.indirect_vreg.gather [hbm4b:s5+s3], $0x80, v2, vm0, $0xb8;
	[tilespmem:$0x10400] =	vst v63  }
0x114: {  	s10 =	simm.s32 $0xD400  }
0x115: {  	[tilespmem:s10], [sflag:$0x8] =	stream.indirect_vreg.gather [hbm4b:s6+s3], $0x80, v2, vm0, $0xb8;
	[tilespmem:$0x10400] =	vst v63  }
0x116: {  	s20 =	simm.s32 $0xDC00  }
0x117: {  	[tilespmem:s20], [sflag:$0x8] =	stream.indirect_vreg.gather [hbm4b:s7+s3], $0x80, v2, vm0, $0xb8;
	[tilespmem:$0x10400] =	vst v63  }
0x118: {  	s20 =	simm.s32 $0x11  }
0x119: {  	_ =	swait.ge [sflag:s20], $0x2000  }
0x11a: {  	[sflag:s20] =	ssyncset.done $0x0  }
0x11b: {  	[sflag:s20] =	ssyncadd.s32 $0xFFFFE000  }
0x11c: {  	v2 =	vld.msk [tilespmem:s26+$0x0], $0xff;
	_ =	sdelay $0x4  }
0x11d: {  	v3 =	vshll.u32 v2, $0x3  }
0x11e: {  	v2 =	vand.u32 $0x7, v2;
	v3 =	vand.u32 $0xFFFFFFC0, v3  }
0x11f: {  	v2 =	vor.u32 v2, v3  }
0x120: {  	v2 =	vperm.xlane v2, v0;
	_ =	sdelay $0x1  }
0x121: {  	v2 =	vadd.s32 v1, v2;
	_ =	sdelay $0x3  }
0x122: {  	s29 =	simm.s32 $0x400;
	s31 =	simm.s32 $0x8400;
	p0 =	sne.s32 s28, $0x1C000  }
0x123: {  	[tilespmem:s24], [sflag:$0x9] =	stream.indirect_vreg.gather [hbm4b:s1+s3], $0x80, v2, vm0, $0xb8;
	[tilespmem:$0x10400] =	vst v63  }
0x124: {  	s28 =	sadd.s32 $0x2000, s28;
	s4 =	simm.s32 $0xC400;
	s24 =	simm.s32 $0xEC00  }
0x125: {  	[tilespmem:s24], [sflag:$0x9] =	stream.indirect_vreg.gather [hbm4b:s5+s3], $0x80, v2, vm0, $0xb8;
	[tilespmem:$0x10400] =	vst v63  }
.Ltmp0:
0x126: {  	s8 =	simm.s32 $0x2400;
	s12 =	simm.s32 $0x4400;
	(pc) =	sbr.rel @p0 .LBB2_2-.Ltmp0, $4  }
0x127: {  	s23 =	simm.s32 $0x6400;
	s17 =	simm.s32 $0xA400;
	s24 =	simm.s32 $0xF400  }
0x128: {  	[tilespmem:s24], [sflag:$0x9] =	stream.indirect_vreg.gather [hbm4b:s6+s3], $0x80, v2, vm0, $0xb8;
	[tilespmem:$0x10400] =	vst v63  }
0x129: {  	s10 =	simm.s32 $0xE400;
	s26 =	sadd.s32 $0x40, s26;
	s24 =	simm.s32 $0xFC00  }
0x12a: {  	[tilespmem:s24], [sflag:$0x9] =	stream.indirect_vreg.gather [hbm4b:s7+s3], $0x80, v2, vm0, $0xb8;
	[tilespmem:$0x10400] =	vst v63  }
0x12b: {  	_ =	swait.ge [sflag:s11], $0x2000  }
0x12c: {  	[sflag:s11] =	ssyncset.done $0x0  }
0x12d: {  	s20 =	rddreg [dreg:$0x6];
	[sflag:s11] =	ssyncadd.s32 $0xFFFFE000  }
0x12e: {  	[hbm4b:s20+s3] =	stream.linear.scatter [tilespmem:s29], [sflag:$0xA], $0x2000, $0x38;
	[tilespmem:$0x10400] =	vst v63  }
0x12f: {  	_ =	swait.ge [sflag:s13], $0x2000  }
0x130: {  	[sflag:s13] =	ssyncset.done $0x0  }
0x131: {  	s11 =	rddreg [dreg:$0x7];
	[sflag:s13] =	ssyncadd.s32 $0xFFFFE000  }
0x132: {  	[hbm4b:s11+s3] =	stream.linear.scatter [tilespmem:s8], [sflag:$0xB], $0x2000, $0x38;
	[tilespmem:$0x10400] =	vst v63  }
0x133: {  	_ =	swait.ge [sflag:s14], $0x2000  }
0x134: {  	[sflag:s14] =	ssyncset.done $0x0  }
0x135: {  	s13 =	rddreg [dreg:$0x8];
	[sflag:s14] =	ssyncadd.s32 $0xFFFFE000  }
0x136: {  	[hbm4b:s13+s3] =	stream.linear.scatter [tilespmem:s12], [sflag:$0xC], $0x2000, $0x38;
	[tilespmem:$0x10400] =	vst v63  }
0x137: {  	_ =	swait.ge [sflag:s15], $0x2000  }
0x138: {  	[sflag:s15] =	ssyncset.done $0x0  }
0x139: {  	s24 =	rddreg [dreg:$0x9];
	[sflag:s15] =	ssyncadd.s32 $0xFFFFE000  }
0x13a: {  	[hbm4b:s24+s3] =	stream.linear.scatter [tilespmem:s23], [sflag:$0xD], $0x2000, $0x38;
	[tilespmem:$0x10400] =	vst v63  }
0x13b: {  	_ =	swait.ge [sflag:s19], $0x2000  }
0x13c: {  	[sflag:s19] =	ssyncset.done $0x0  }
0x13d: {  	s26 =	rddreg [dreg:$0xa];
	[sflag:s19] =	ssyncadd.s32 $0xFFFFE000  }
0x13e: {  	[hbm4b:s26+s3] =	stream.linear.scatter [tilespmem:s31], [sflag:$0xE], $0x2000, $0x38;
	[tilespmem:$0x10400] =	vst v63  }
0x13f: {  	_ =	swait.ge [sflag:s21], $0x2000  }
0x140: {  	[sflag:s21] =	ssyncset.done $0x0  }
0x141: {  	s11 =	rddreg [dreg:$0xb];
	[sflag:s21] =	ssyncadd.s32 $0xFFFFE000  }
0x142: {  	[hbm4b:s11+s3] =	stream.linear.scatter [tilespmem:s17], [sflag:$0xF], $0x2000, $0x38;
	[tilespmem:$0x10400] =	vst v63  }
0x143: {  	_ =	swait.ge [sflag:s22], $0x2000  }
0x144: {  	[sflag:s22] =	ssyncset.done $0x0  }
0x145: {  	s13 =	rddreg [dreg:$0xc];
	[sflag:s22] =	ssyncadd.s32 $0xFFFFE000  }
0x146: {  	[hbm4b:s13+s3] =	stream.linear.scatter [tilespmem:s4], [sflag:$0x10], $0x2000, $0x38;
	[tilespmem:$0x10400] =	vst v63  }
0x147: {  	_ =	swait.ge [sflag:s25], $0x2000  }
0x148: {  	[sflag:s25] =	ssyncset.done $0x0  }
0x149: {  	s26 =	simm.s32 $0xA;
	s24 =	rddreg [dreg:$0xd];
	[sflag:s25] =	ssyncadd.s32 $0xFFFFE000  }
0x14a: {  	[hbm4b:s24+s3] =	stream.linear.scatter [tilespmem:s10], [sflag:$0x11], $0x2000, $0x38;
	[tilespmem:$0x10400] =	vst v63  }
0x14b: {  	_ =	swait.ge [sflag:s26], $0x2000  }
0x14c: {  	[sflag:s26] =	ssyncset.done $0x0  }
0x14d: {  	s13 =	simm.s32 $0xB;
	[sflag:s26] =	ssyncadd.s32 $0xFFFFE000  }
0x14e: {  	_ =	swait.ge [sflag:s13], $0x2000  }
0x14f: {  	[sflag:s13] =	ssyncset.done $0x0  }
0x150: {  	s20 =	simm.s32 $0xC;
	[sflag:s13] =	ssyncadd.s32 $0xFFFFE000  }
0x151: {  	_ =	swait.ge [sflag:s20], $0x2000  }
0x152: {  	[sflag:s20] =	ssyncset.done $0x0  }
0x153: {  	s24 =	simm.s32 $0xD;
	[sflag:s20] =	ssyncadd.s32 $0xFFFFE000  }
0x154: {  	_ =	swait.ge [sflag:s24], $0x2000  }
0x155: {  	[sflag:s24] =	ssyncset.done $0x0  }
0x156: {  	s26 =	simm.s32 $0xE;
	[sflag:s24] =	ssyncadd.s32 $0xFFFFE000  }
0x157: {  	_ =	swait.ge [sflag:s26], $0x2000  }
0x158: {  	[sflag:s26] =	ssyncset.done $0x0  }
0x159: {  	s13 =	simm.s32 $0xF;
	[sflag:s26] =	ssyncadd.s32 $0xFFFFE000  }
0x15a: {  	_ =	swait.ge [sflag:s13], $0x2000  }
0x15b: {  	[sflag:s13] =	ssyncset.done $0x0  }
0x15c: {  	s20 =	simm.s32 $0x10;
	[sflag:s13] =	ssyncadd.s32 $0xFFFFE000  }
0x15d: {  	_ =	swait.ge [sflag:s20], $0x2000  }
0x15e: {  	[sflag:s20] =	ssyncset.done $0x0  }
0x15f: {  	s13 =	simm.s32 $0x11;
	[sflag:s20] =	ssyncadd.s32 $0xFFFFE000  }
0x160: {  	_ =	swait.ge [sflag:s13], $0x2000  }
0x161: {  	s24 =	rddreg [dreg:$0xf]  }
0x162: {  	s26 =	rddreg [dreg:$0xe];
	s11 =	sadd.s32 $0x1, s24  }
0x163: {  	p0 =	sne.s32 s11, s26  }
.Ltmp1:
0x164: {  	_ = 	snop;
	(pc) =	sbr.rel @p0 .LBB2_1-.Ltmp1, $3  }
0x165: {  	_ =	sdelay $0x1  }
0x166: {  	[sflag:s13] =	ssyncset.done $0x0  }
0x167: {  	s28 =	simm.s32 $0x1C00;
	[sflag:s13] =	ssyncadd.s32 $0xFFFFE000  }
0x168: {  	_ =	sfence.sel $0x180000  }
0x169: {  	[bflag:$0x0] =	sbarrier.arrive $0xFFFF  }
0x16a: {  	_ =	strace $0x90000047  }
0x16b: {  	s0 =	stileid.u32;
	[bflag:$0x2] =	sbarrier.arrive $0xFFFF  }
0x16c: {  	p0 =	sne.s32 s0, $0x0;
	s0 =	rddreg [dreg:$0x3]  }
0x16d: {  	s0 =	sadd.s32 @!p0 $0x100000, s0  }
0x16e: {  	[sflag:s0] =	ssyncadd.tile.s32 @!p0 $0x1;
	_ =	shalt  }
.Lfunc_end2:
_tile_overlayer_lowered:
.L_overlay_start_2:
0x16f: {  	(tag) =	ssettag $0x2  }
0x170: {  	s0 =	rddreg [dreg:$0x0];
	s2 =	stileid.u32  }
0x171: {  	s1 =	rddreg [dreg:$0x1];
	p0 =	sne.s32 s2, $0x0  }
0x172: {  	s3 =	rddreg [dreg:$0x2];
	[bflag:$0x3] =	sbarrier.arrive $0xFFFF;
	s2 =	simm.s32 @!p0 $0x1C12  }
0x173: {  	[timem:s3], [sflag:s2] =	dma.local @!p0 [hbm:s0], s1  }
0x174: {  	s0 =	simm.s32 @!p0 $0x12  }
0x175: {  	_ =	swait.ge @!p0 [sflag:s0], s1  }
0x176: {  	s1 =	ssub.s32 @!p0 $0x0, s1;
	[sflag:s0] =	ssyncset.done @!p0 $0x0  }
0x177: {  	[sflag:s0] =	ssyncadd.s32 @!p0 s1  }
0x178: {  	[bflag:$0x3] =	sbarrier.arrive $0xFFFF  }
0x179: {  	_ =	shalt  }

</sc_bundles>
